<compile_context>
chip_gen: v7x
topology: tpu7x:2x2x1
jax: 0.10.2.dev20260603
libtpu: 0.0.44.dev20260713+nightly
codegen_flags: <defaults>
</compile_context>

<pallas_src>
import functools
import math

import jax
import jax.numpy as jnp
from jax import lax
from jax.experimental import pallas as pl
from jax.experimental.pallas import tpu as pltpu
from jax.experimental.pallas import tpu_sc as plsc

N_NODES = 10000
NG = 512
D = 128
INV_SQRT_D = 1.0 / math.sqrt(128.0)



def _counts(dst, src, n=NG):
  e = dst.shape[0]
  chunk = 2048 if e % 2048 == 0 else 2000
  grid = e // chunk

  def body(d_ref, s_ref, o_ref):
    i = pl.program_id(0)
    ids = lax.broadcasted_iota(jnp.int32, (1, n), 1)
    ohd = (d_ref[...] == ids).astype(jnp.float32)
    ohs = (s_ref[...] == ids).astype(jnp.float32)
    c = lax.dot_general(ohd, ohs, (((0,), (0,)), ((), ())),
                        preferred_element_type=jnp.float32)

    @pl.when(i == 0)
    def _():
      o_ref[...] = c

    @pl.when(i > 0)
    def _():
      o_ref[...] += c

  return pl.pallas_call(
      body,
      grid=(grid,),
      in_specs=[
          pl.BlockSpec((chunk, 1), lambda i: (i, 0)),
          pl.BlockSpec((chunk, 1), lambda i: (i, 0)),
      ],
      out_specs=pl.BlockSpec((n, n), lambda i: (0, 0)),
      out_shape=jax.ShapeDtypeStruct((n, n), jnp.float32),
  )(dst.reshape(e, 1), src.reshape(e, 1))


def _dense_att_core(xs, xd, c, wq, bq, wk, bk, wv, bv):
  q = jnp.dot(xd, wq, preferred_element_type=jnp.float32) + bq
  k = jnp.dot(xs, wk, preferred_element_type=jnp.float32) + bk
  v = jnp.dot(xs, wv, preferred_element_type=jnp.float32) + bv
  s = lax.dot_general(q, k, (((1,), (1,)), ((), ())),
                      preferred_element_type=jnp.float32) * INV_SQRT_D
  mask = c > 0.0
  m = jnp.max(jnp.where(mask, s, -1e30), axis=1, keepdims=True)
  m = jnp.where(m > -1e29, m, 0.0)
  ew = c * jnp.exp(s - m)
  den = jnp.sum(ew, axis=1, keepdims=True) + 1e-16
  return jnp.dot(ew / den, v, preferred_element_type=jnp.float32)


def _att512_full(xs, xd, c, p):

  def body(xs_ref, xd_ref, c_ref, wq, bq, wk, bk, wv, bv, ws, bs, wp, bp,
           o_ref):
    att = _dense_att_core(xs_ref[...], xd_ref[...], c_ref[...], wq[...],
                          bq[...], wk[...], bk[...], wv[...], bv[...])
    att = att + jnp.dot(xd_ref[...], ws[...],
                        preferred_element_type=jnp.float32) + bs[...]
    o_ref[...] = jnp.dot(att, wp[...],
                         preferred_element_type=jnp.float32) + bp[...]

  args = (xs, xd, c,
          p['q'][0], p['q'][1].reshape(1, -1),
          p['k'][0], p['k'][1].reshape(1, -1),
          p['v'][0], p['v'][1].reshape(1, -1),
          p['skip'][0], p['skip'][1].reshape(1, -1),
          p['proj'][0], p['proj'][1].reshape(1, -1))
  return pl.pallas_call(
      body,
      out_shape=jax.ShapeDtypeStruct((NG, D), jnp.float32),
  )(*args)


def _att512_raw(xs, xd, c, p):

  def body(xs_ref, xd_ref, c_ref, wq, bq, wk, bk, wv, bv, o_ref):
    o_ref[...] = _dense_att_core(xs_ref[...], xd_ref[...], c_ref[...],
                                 wq[...], bq[...], wk[...], bk[...],
                                 wv[...], bv[...])

  args = (xs, xd, c,
          p['q'][0], p['q'][1].reshape(1, -1),
          p['k'][0], p['k'][1].reshape(1, -1),
          p['v'][0], p['v'][1].reshape(1, -1))
  return pl.pallas_call(
      body,
      out_shape=jax.ShapeDtypeStruct((NG, D), jnp.float32),
  )(*args)


def _layer_norm(t, g, b):
  mu = jnp.mean(t, axis=-1, keepdims=True)
  var = jnp.mean((t - mu) ** 2, axis=-1, keepdims=True)
  return (t - mu) / jnp.sqrt(var + 1e-5) * g + b


def _lnres(x, res, norm):

  def body(x_ref, r_ref, g_ref, b_ref, o_ref):
    o_ref[...] = _layer_norm(x_ref[...] + r_ref[...], g_ref[...], b_ref[...])

  return pl.pallas_call(
      body,
      out_shape=jax.ShapeDtypeStruct((NG, D), jnp.float32),
  )(x, res, norm[0].reshape(1, D), norm[1].reshape(1, D))


def _mm_bias(x, w, b):
  n, dout = x.shape[0], w.shape[1]
  blk = 2000
  grid = n // blk

  def body(x_ref, w_ref, b_ref, o_ref):
    o_ref[...] = jnp.dot(x_ref[...], w_ref[...],
                         preferred_element_type=jnp.float32) + b_ref[...]

  return pl.pallas_call(
      body,
      grid=(grid,),
      in_specs=[
          pl.BlockSpec((blk, D), lambda i: (i, 0)),
          pl.BlockSpec((D, dout), lambda i: (0, 0)),
          pl.BlockSpec((1, dout), lambda i: (0, 0)),
      ],
      out_specs=pl.BlockSpec((blk, dout), lambda i: (i, 0)),
      out_shape=jax.ShapeDtypeStruct((n, dout), jnp.float32),
  )(x, w, b.reshape(1, dout))


def _down_final(att_pad, hl, h_in, p, norm):
  blk = 2000
  grid = N_NODES // blk

  def body(a_ref, hl_ref, hin_ref, ws, bs, wp, bp, g, b, o_ref):
    t = a_ref[...] + jnp.dot(hl_ref[...], ws[...],
                             preferred_element_type=jnp.float32) + bs[...]
    t = jnp.dot(t, wp[...], preferred_element_type=jnp.float32) + bp[...]
    o_ref[...] = _layer_norm(t + hin_ref[...], g[...], b[...])

  rowspec = pl.BlockSpec((blk, D), lambda i: (i, 0))
  wspec = pl.BlockSpec((D, D), lambda i: (0, 0))
  bspec = pl.BlockSpec((1, D), lambda i: (0, 0))
  return pl.pallas_call(
      body,
      grid=(grid,),
      in_specs=[rowspec, rowspec, rowspec, wspec, bspec, wspec, bspec,
                bspec, bspec],
      out_specs=rowspec,
      out_shape=jax.ShapeDtypeStruct((N_NODES, D), jnp.float32),
  )(att_pad, hl, h_in, p['skip'][0], p['skip'][1].reshape(1, D),
    p['proj'][0], p['proj'][1].reshape(1, D), norm[0].reshape(1, D),
    norm[1].reshape(1, D))


def _node_final(num, dens, h1, p, norm):
  blk = 2000
  grid = N_NODES // blk

  def body(p0_ref, p1_ref, d_ref, h1_ref, ws, bs, wp, bp, g, b, o_ref):
    num = p0_ref[...] + p1_ref[...]
    den = jnp.sum(d_ref[...], axis=1)[:, None]
    att = num / (den + 1e-16)
    t = att + jnp.dot(h1_ref[...], ws[...],
                      preferred_element_type=jnp.float32) + bs[...]
    t = jnp.dot(t, wp[...], preferred_element_type=jnp.float32) + bp[...]
    o_ref[...] = _layer_norm(t + h1_ref[...], g[...], b[...])

  rowspec = pl.BlockSpec((blk, D), lambda i: (i, 0))
  denspec = pl.BlockSpec((blk, _NCORES), lambda i: (i, 0))
  wspec = pl.BlockSpec((D, D), lambda i: (0, 0))
  bspec = pl.BlockSpec((1, D), lambda i: (0, 0))
  return pl.pallas_call(
      body,
      grid=(grid,),
      in_specs=[rowspec, rowspec, denspec, rowspec, wspec, bspec, wspec,
                bspec, bspec, bspec],
      out_specs=rowspec,
      out_shape=jax.ShapeDtypeStruct((N_NODES, D), jnp.float32),
  )(num[0], num[1], dens, h1, p['skip'][0], p['skip'][1].reshape(1, D),
    p['proj'][0], p['proj'][1].reshape(1, D), norm[0].reshape(1, D),
    norm[1].reshape(1, D))


def _mlp_graph(gh1, mlp, norm):
  def body(x_ref, w1, b1, w2, b2, g, b, o_ref):
    x = x_ref[...]
    m = jnp.dot(x, w1[...], preferred_element_type=jnp.float32) + b1[...]
    m = 0.5 * m * (1.0 + jnp.tanh(
        math.sqrt(2.0 / math.pi) * (m + 0.044715 * m ** 3)))
    m = jnp.dot(m, w2[...], preferred_element_type=jnp.float32) + b2[...]
    o_ref[...] = _layer_norm(m + x, g[...], b[...])

  return pl.pallas_call(
      body,
      out_shape=jax.ShapeDtypeStruct((NG, D), jnp.float32),
  )(gh1, mlp['l1'][0], mlp['l1'][1].reshape(1, D), mlp['l2'][0],
    mlp['l2'][1].reshape(1, D), norm[0].reshape(1, D), norm[1].reshape(1, D))



_NCORES = 2
_NSUB = 16
_NTILES = _NCORES * _NSUB
_EPT = 320000 // _NTILES
_EB = 80
_NB = _EPT // _EB
_ACCR = N_NODES
_RPT = 632
_RLAST0 = _RPT * (_NSUB - 1)
_RLAST = N_NODES - _RLAST0
_DROWS = 80


def _sc_edge_att(q, kv, src, dst, zeros):
  mesh = plsc.VectorSubcoreMesh(core_axis_name="c", subcore_axis_name="s")

  @functools.partial(
      pl.kernel,
      mesh=mesh,
      out_type=(
          jax.ShapeDtypeStruct((_NCORES, N_NODES, D), jnp.float32),
          jax.ShapeDtypeStruct((_NCORES, _DROWS, D), jnp.float32),
      ),
      scratch_types=[
          pltpu.VMEM((_EB,), jnp.int32),
          pltpu.VMEM((_EB,), jnp.int32),
          pltpu.VMEM((_EB + 16,), jnp.int32),
          pltpu.VMEM((_EB,), jnp.int32),
          pltpu.VMEM((_EB, D), jnp.float32),
          pltpu.VMEM((_EB, D), jnp.float32),
          pltpu.VMEM((_EB, D), jnp.float32),
          pltpu.VMEM((_EB, D), jnp.float32),
          pltpu.VMEM_SHARED((N_NODES, D), jnp.float32),
          pltpu.VMEM_SHARED((_DROWS, D), jnp.float32),
          pltpu.SemaphoreType.DMA,
      ],
  )
  def body(q_hbm, k_hbm, v_hbm, src_hbm, dst_hbm, z_hbm, out_hbm, den_hbm,
           sidx, didx, didx_p, ddiv, qr, kr, vr, wv, acc, dacc, sem):
    cid = lax.axis_index("c")
    sid = lax.axis_index("s")
    wid = sid * _NCORES + cid
    row0 = sid * _RPT
    @pl.when(sid < _NSUB - 1)
    def _():
      pltpu.sync_copy(z_hbm.at[pl.ds(row0, _RPT)], acc.at[pl.ds(row0, _RPT)])

    @pl.when(sid == _NSUB - 1)
    def _():
      pltpu.sync_copy(z_hbm.at[pl.ds(_RLAST0, _RLAST)],
                      acc.at[pl.ds(_RLAST0, _RLAST)])

    @pl.when(sid == 0)
    def _():
      pltpu.sync_copy(z_hbm.at[pl.ds(0, _DROWS)], dacc)

    didx_p[pl.ds(_EB, 16)] = jnp.zeros((16,), jnp.int32)
    plsc.subcore_barrier()

    ebase = wid * _EPT
    lane = lax.iota(jnp.int32, 16)
    dnums = lax.GatherDimensionNumbers(
        offset_dims=(), collapsed_slice_dims=(0,), start_index_map=(0,))
    zero_idx = jnp.zeros((16, 1), jnp.int32)

    def batch(bi, carry):
      off = ebase + bi * _EB
      pltpu.sync_copy(src_hbm.at[pl.ds(off, _EB)], sidx)
      pltpu.sync_copy(dst_hbm.at[pl.ds(off, _EB)], didx)
      cq = pltpu.async_copy(q_hbm.at[didx], qr, sem)
      ck = pltpu.async_copy(k_hbm.at[sidx], kr, sem)
      cv = pltpu.async_copy(v_hbm.at[sidx], vr, sem)
      for t in range(_EB // 16):
        dd = didx[pl.ds(16 * t, 16)]
        didx_p[pl.ds(16 * t, 16)] = dd
        ddiv[pl.ds(16 * t, 16)] = lax.shift_right_logical(dd, 7)
      cq.wait()
      ck.wait()
      cv.wait()

      def edge(e, c2):
        a = qr[e, pl.ds(0, 16)] * kr[e, pl.ds(0, 16)]
        for j in range(1, 8):
          a = a + qr[e, pl.ds(16 * j, 16)] * kr[e, pl.ds(16 * j, 16)]
        for sh in (8, 4, 2, 1):
          a = a + lax.gather(
              a, (lane ^ sh).reshape(16, 1), dimension_numbers=dnums,
              slice_sizes=(1,),
              mode=lax.GatherScatterMode.PROMISE_IN_BOUNDS)
        w = jnp.exp(a * INV_SQRT_D)
        for j in range(8):
          wv[e, pl.ds(16 * j, 16)] = vr[e, pl.ds(16 * j, 16)] * w
        qr[e, pl.ds(0, 16)] = w
        return c2

      lax.fori_loop(0, _EB, edge, 0)
      sa = pltpu.async_copy(wv, acc.at[didx], sem, add=True)

      def edge_den(e, c2):
        w = qr[e, pl.ds(0, 16)]
        dwin = didx_p[pl.ds(e, 16)]
        dbc = lax.gather(dwin, zero_idx, dimension_numbers=dnums,
                         slice_sizes=(1,),
                         mode=lax.GatherScatterMode.PROMISE_IN_BOUNDS)
        drem = lax.bitwise_and(dbc, 127)
        for j in range(8):
          hit = (lane + (16 * j)) == drem
          qr[e, pl.ds(16 * j, 16)] = jnp.where(hit, w,
                                               jnp.zeros((16,), jnp.float32))
        return c2

      lax.fori_loop(0, _EB, edge_den, 0)
      sb = pltpu.async_copy(qr, dacc.at[ddiv], sem, add=True)
      sa.wait()
      sb.wait()
      return carry

    lax.fori_loop(0, _NB, batch, 0)
    plsc.subcore_barrier()

    @pl.when(sid < _NSUB - 1)
    def _():
      pltpu.sync_copy(acc.at[pl.ds(row0, _RPT)],
                      out_hbm.at[cid, pl.ds(row0, _RPT)])

    @pl.when(sid == _NSUB - 1)
    def _():
      pltpu.sync_copy(acc.at[pl.ds(_RLAST0, _RLAST)],
                      out_hbm.at[cid, pl.ds(_RLAST0, _RLAST)])

    @pl.when(sid == 0)
    def _():
      pltpu.sync_copy(dacc, den_hbm.at[cid])

  return body(q, kv[:, :D], kv[:, D:], src, dst, zeros)




def kernel(h, graph_h, edge_index, upward, downward, context_edge_index,
           params):
  p = params
  c_up = _counts(upward[1], upward[0])
  c_ctx = _counts(context_edge_index[1], context_edge_index[0])
  c_dn = _counts(downward[1], downward[0])

  gh_a = _att512_full(h[:NG], graph_h, c_up, p['att_upward'])
  hl = _mm_bias(h, p['linear_node_1'][0], p['linear_node_1'][1])
  gh_b = _att512_full(gh_a, gh_a, c_ctx, p['att_graph'])
  gh1 = _lnres(gh_b, graph_h, p['ln_1_graph'])

  att_d = _att512_raw(gh1, hl[:NG], c_dn, p['att_downward'])
  att_d_pad = jnp.concatenate(
      [att_d, jnp.zeros((N_NODES - NG, D), jnp.float32)], axis=0)
  h1 = _down_final(att_d_pad, hl, h, p['att_downward'], p['norm_node_1'])

  an = p['att_node']
  qkv_w = jnp.concatenate([an['q'][0], an['k'][0], an['v'][0]], axis=1)
  qkv_b = jnp.concatenate([an['q'][1], an['k'][1], an['v'][1]])
  qkv = _mm_bias(h1, qkv_w, qkv_b)
  q_n = qkv[:, :D]
  k_n = qkv[:, D:2 * D]
  v_n = qkv[:, 2 * D:3 * D]

  kv_n = jnp.concatenate([k_n, v_n], axis=1)
  nums, dens = _sc_edge_att(q_n, kv_n,
                            edge_index[0], edge_index[1],
                            jnp.zeros((N_NODES, D), jnp.float32))
  den2 = dens.reshape(_NCORES, _DROWS * D)[:, :N_NODES].T
  h_out = _node_final(nums, den2, h1, an, p['norm_node_2'])
  gh_out = _mlp_graph(gh1, p['mlp_graph'], p['ln_2_graph'])
  return h_out, gh_out

# --- scband reference (transcript-rebuilt; emitter-appended) ---
"""Pipeline reference for scband-atte-mtion-block-53747220742536 (READ-ONLY COPY).

The authoritative reference and input builder live on the scoring server;
editing this copy changes nothing except your own understanding.
"""

import math
import jax, jax.numpy as jnp
import numpy as np

N_NODES = 10000
N_GRAPHS = 512
N_EDGES = 320000
N_UP = 10000
N_DOWN = 10000
N_CTX = 4096
NC = 128
GC = 128


def _lin(key, din, dout):
    k1, _ = jax.random.split(key)
    return [jax.random.normal(k1, (din, dout), dtype=jnp.float32) * 0.02,
            jnp.zeros((dout,), dtype=jnp.float32)]


def _att(key, in_src, in_dst, hid, out):
    ks = jax.random.split(key, 5)
    return {
        'k': _lin(ks[0], in_src, hid),
        'v': _lin(ks[1], in_src, hid),
        'q': _lin(ks[2], in_dst, hid),
        'skip': _lin(ks[3], in_dst, hid),
        'proj': _lin(ks[4], hid, out),
    }


def setup_inputs(seed: int = 0) -> dict:
    key = jax.random.key(seed)
    ks = jax.random.split(key, 16)
    h = jax.random.normal(ks[0], (N_NODES, NC), dtype=jnp.float32)
    graph_h = jax.random.normal(ks[1], (N_GRAPHS, GC), dtype=jnp.float32)
    edge_index = jax.random.randint(ks[2], (2, N_EDGES), 0, N_NODES)
    upward = jax.random.randint(ks[3], (2, N_UP), 0, N_GRAPHS)
    downward = jax.random.randint(ks[4], (2, N_DOWN), 0, N_GRAPHS)
    context_edge_index = jax.random.randint(ks[5], (2, N_CTX), 0, N_GRAPHS)
    params = {
        'linear_node_1': _lin(ks[6], NC, NC),
        'norm_node_1': [jnp.ones((NC,), jnp.float32), jnp.zeros((NC,), jnp.float32)],
        'norm_node_2': [jnp.ones((NC,), jnp.float32), jnp.zeros((NC,), jnp.float32)],
        'att_node': _att(ks[7], NC, NC, NC, NC),
        'att_upward': _att(ks[8], NC, GC, GC, GC),
        'att_downward': _att(ks[9], GC, NC, NC, NC),
        'att_graph': _att(ks[10], GC, GC, GC, GC),
        'ln_1_graph': [jnp.ones((GC,), jnp.float32), jnp.zeros((GC,), jnp.float32)],
        'ln_2_graph': [jnp.ones((GC,), jnp.float32), jnp.zeros((GC,), jnp.float32)],
        'mlp_graph': {'l1': _lin(ks[11], GC, GC), 'l2': _lin(ks[12], GC, GC)},
    }
    return {'h': h, 'graph_h': graph_h, 'edge_index': edge_index,
            'upward': upward, 'downward': downward,
            'context_edge_index': context_edge_index, 'params': params}


def _layer_norm(x, g, b):
    mu = jnp.mean(x, axis=-1, keepdims=True)
    var = jnp.mean((x - mu) ** 2, axis=-1, keepdims=True)
    return (x - mu) / jnp.sqrt(var + 1e-5) * g + b


def _new_gelu(x):
    return 0.5 * x * (1.0 + jnp.tanh(math.sqrt(2.0 / math.pi) * (x + 0.044715 * x ** 3)))


def _tconv(x_src, x_dst, edge_index, p, num_dst):
    # PyG TransformerConv, heads=1, concat=True, root_weight=True, no edge_dim
    q = x_dst @ p['q'][0] + p['q'][1]
    k = x_src @ p['k'][0] + p['k'][1]
    v = x_src @ p['v'][0] + p['v'][1]
    src = edge_index[0]
    dst = edge_index[1]
    d = q.shape[-1]
    score = jnp.sum(q[dst] * k[src], axis=-1) / jnp.sqrt(float(d))
    m = jax.ops.segment_max(score, dst, num_segments=num_dst)
    m = jnp.where(jnp.isfinite(m), m, 0.0)
    e = jnp.exp(score - m[dst])
    s = jax.ops.segment_sum(e, dst, num_segments=num_dst)
    alpha = e / (s[dst] + 1e-16)
    out = jax.ops.segment_sum(alpha[:, None] * v[src], dst, num_segments=num_dst)
    out = out + x_dst @ p['skip'][0] + p['skip'][1]
    return out


def _gpt2_att(x_src, x_dst, ei, p, num_dst):
    a = _tconv(x_src, x_dst, ei, p, num_dst)
    return a @ p['proj'][0] + p['proj'][1]


def _forward(h_in, gh_in, params, edge_index, upward, downward, context_ei):
    N = h_in.shape[0]
    G = gh_in.shape[0]
    gh = _gpt2_att(h_in, gh_in, upward, params['att_upward'], G)
    hl = h_in @ params['linear_node_1'][0] + params['linear_node_1'][1]
    gh = _gpt2_att(gh, gh, context_ei, params['att_graph'], G)
    gh = gh + gh_in
    gh = _layer_norm(gh, params['ln_1_graph'][0], params['ln_1_graph'][1])
    gh1 = gh
    h = _gpt2_att(gh1, hl, downward, params['att_downward'], N)
    h = h + h_in
    h = _layer_norm(h, params['norm_node_1'][0], params['norm_node_1'][1])
    h1 = h
    h = _gpt2_att(h1, h1, edge_index, params['att_node'], N)
    h = h + h1
    h = _layer_norm(h, params['norm_node_2'][0], params['norm_node_2'][1])
    m = _new_gelu(gh1 @ params['mlp_graph']['l1'][0] + params['mlp_graph']['l1'][1])
    m = m @ params['mlp_graph']['l2'][0] + params['mlp_graph']['l2'][1]
    gh = m + gh1
    gh = _layer_norm(gh, params['ln_2_graph'][0], params['ln_2_graph'][1])
    return h, gh


def reference(h, graph_h, edge_index, upward, downward, context_edge_index, params):
    return _forward(h, graph_h, params, edge_index, upward, downward, context_edge_index)

if __name__ == "__main__":
    import jax
    _d = setup_inputs()
    print(jax.jit(kernel)(*tuple(_d.values())))

</pallas_src>

<mosaic_0001>
#map = affine_map<(d0, d1) -> (0, 0)>
#map1 = affine_map<(d0, d1) -> (0)>
#map2 = affine_map<(d0, d1) -> (0, 0, 0)>
module attributes {stable_mosaic.version = 14 : i64} {
  func.func @body(%arg0: i32, %arg1: i32, %arg2: memref<10000x128xf32, #tpu.memory_space<hbm>>, %arg3: memref<10000x128xf32, #tpu.memory_space<hbm>>, %arg4: memref<10000x128xf32, #tpu.memory_space<hbm>>, %arg5: memref<320000xi32, #tpu.memory_space<hbm>>, %arg6: memref<320000xi32, #tpu.memory_space<hbm>>, %arg7: memref<10000x128xf32, #tpu.memory_space<hbm>>, %arg8: memref<2x10000x128xf32, #tpu.memory_space<hbm>>, %arg9: memref<2x80x128xf32, #tpu.memory_space<hbm>>, %arg10: memref<80xi32, #tpu.memory_space<vmem>>, %arg11: memref<80xi32, #tpu.memory_space<vmem>>, %arg12: memref<96xi32, #tpu.memory_space<vmem>>, %arg13: memref<80xi32, #tpu.memory_space<vmem>>, %arg14: memref<80x128xf32, #tpu.memory_space<vmem>>, %arg15: memref<80x128xf32, #tpu.memory_space<vmem>>, %arg16: memref<80x128xf32, #tpu.memory_space<vmem>>, %arg17: memref<80x128xf32, #tpu.memory_space<vmem>>, %arg18: memref<10000x128xf32, #tpu.memory_space<vmem_shared>>, %arg19: memref<80x128xf32, #tpu.memory_space<vmem_shared>>, %arg20: memref<!tpu.dma_semaphore, #tpu.memory_space<semaphore_mem>>) attributes {dimension_semantics = [#tpu.dimension_semantics<core_parallel>, #tpu.dimension_semantics<subcore_parallel>], iteration_bounds = array<i64: 2, 16>, scalar_prefetch = 0 : i64, scratch_operands = 11 : i64, tpu.core_type = #tpu.core_type<sc_vector_subcore>, window_params = [{transform_indices = #map}, {transform_indices = #map}, {transform_indices = #map}, {transform_indices = #map1}, {transform_indices = #map1}, {transform_indices = #map}, {transform_indices = #map2}, {transform_indices = #map2}]} {
    %mul3A = arith.constant 2 : i32
    %mul3A_0 = arith.muli %arg1, %mul3A : i32
    %add3A = arith.addi %mul3A_0, %arg0 : i32
    %mul3A_1 = arith.constant 632 : i32
    %mul3A_2 = arith.muli %arg1, %mul3A_1 : i32
    %lt3A = arith.constant 15 : i32
    %lt3A_3 = arith.cmpi slt, %arg1, %lt3A : i32
    %convert_element_type3A = arith.extui %lt3A_3 : i1 to i32
    %cond3A = arith.constant 0 : i32
    %cond3A_4 = arith.cmpi ne, %convert_element_type3A, %cond3A : i32
    scf.if %cond3A_4 {
      "tpu.region"() ({
        %run_scoped3A = tpu.sem_alloc : memref<!tpu.dma_semaphore, #tpu.memory_space<semaphore_mem>>
        %dma_start3A = arith.constant 0 : i32
        %dma_start3A_43 = tpu.memref_slice %arg18[%mul3A_2, %dma_start3A] : memref<10000x128xf32, #tpu.memory_space<vmem_shared>> -> memref<632x128xf32, #tpu.memory_space<vmem_shared>>
        %dma_start3A_44 = arith.constant 0 : i32
        %dma_start3A_45 = tpu.memref_slice %arg7[%mul3A_2, %dma_start3A_44] : memref<10000x128xf32, #tpu.memory_space<hbm>> -> memref<632x128xf32, #tpu.memory_space<hbm>>
        tpu.enqueue_dma source(%dma_start3A_45 : memref<632x128xf32, #tpu.memory_space<hbm>>) target(%dma_start3A_43 : memref<632x128xf32, #tpu.memory_space<vmem_shared>>) target_semaphore(%run_scoped3A : memref<!tpu.dma_semaphore, #tpu.memory_space<semaphore_mem>>)
        %dma_wait3A = arith.constant 0 : i32
        %dma_wait3A_46 = tpu.memref_slice %arg18[%mul3A_2, %dma_wait3A] : memref<10000x128xf32, #tpu.memory_space<vmem_shared>> -> memref<632x128xf32, #tpu.memory_space<vmem_shared>>
        %dma_wait3A_47 = arith.constant 0 : i32
        %dma_wait3A_48 = tpu.memref_slice %arg7[%mul3A_2, %dma_wait3A_47] : memref<10000x128xf32, #tpu.memory_space<hbm>> -> memref<632x128xf32, #tpu.memory_space<hbm>>
        tpu.wait_dma2 semaphore(%run_scoped3A : memref<!tpu.dma_semaphore, #tpu.memory_space<semaphore_mem>>) src(%dma_wait3A_48 : memref<632x128xf32, #tpu.memory_space<hbm>>) dst(%dma_wait3A_46 : memref<632x128xf32, #tpu.memory_space<vmem_shared>>)
        tpu.yield
      }) : () -> ()
    } else {
    }
    %eq3A = arith.constant 15 : i32
    %eq3A_5 = arith.cmpi eq, %arg1, %eq3A : i32
    %convert_element_type3A_6 = arith.extui %eq3A_5 : i1 to i32
    %cond3A_7 = arith.constant 0 : i32
    %cond3A_8 = arith.cmpi ne, %convert_element_type3A_6, %cond3A_7 : i32
    scf.if %cond3A_8 {
      "tpu.region"() ({
        %run_scoped3A = tpu.sem_alloc : memref<!tpu.dma_semaphore, #tpu.memory_space<semaphore_mem>>
        %dma_start3A = arith.constant 9480 : i32
        %dma_start3A_43 = arith.constant 0 : i32
        %dma_start3A_44 = tpu.memref_slice %arg18[%dma_start3A, %dma_start3A_43] : memref<10000x128xf32, #tpu.memory_space<vmem_shared>> -> memref<520x128xf32, #tpu.memory_space<vmem_shared>>
        %dma_start3A_45 = arith.constant 9480 : i32
        %dma_start3A_46 = arith.constant 0 : i32
        %dma_start3A_47 = tpu.memref_slice %arg7[%dma_start3A_45, %dma_start3A_46] : memref<10000x128xf32, #tpu.memory_space<hbm>> -> memref<520x128xf32, #tpu.memory_space<hbm>>
        tpu.enqueue_dma source(%dma_start3A_47 : memref<520x128xf32, #tpu.memory_space<hbm>>) target(%dma_start3A_44 : memref<520x128xf32, #tpu.memory_space<vmem_shared>>) target_semaphore(%run_scoped3A : memref<!tpu.dma_semaphore, #tpu.memory_space<semaphore_mem>>)
        %dma_wait3A = arith.constant 9480 : i32
        %dma_wait3A_48 = arith.constant 0 : i32
        %dma_wait3A_49 = tpu.memref_slice %arg18[%dma_wait3A, %dma_wait3A_48] : memref<10000x128xf32, #tpu.memory_space<vmem_shared>> -> memref<520x128xf32, #tpu.memory_space<vmem_shared>>
        %dma_wait3A_50 = arith.constant 9480 : i32
        %dma_wait3A_51 = arith.constant 0 : i32
        %dma_wait3A_52 = tpu.memref_slice %arg7[%dma_wait3A_50, %dma_wait3A_51] : memref<10000x128xf32, #tpu.memory_space<hbm>> -> memref<520x128xf32, #tpu.memory_space<hbm>>
        tpu.wait_dma2 semaphore(%run_scoped3A : memref<!tpu.dma_semaphore, #tpu.memory_space<semaphore_mem>>) src(%dma_wait3A_52 : memref<520x128xf32, #tpu.memory_space<hbm>>) dst(%dma_wait3A_49 : memref<520x128xf32, #tpu.memory_space<vmem_shared>>)
        tpu.yield
      }) : () -> ()
    } else {
    }
    %eq3A_9 = arith.constant 0 : i32
    %eq3A_10 = arith.cmpi eq, %arg1, %eq3A_9 : i32
    %convert_element_type3A_11 = arith.extui %eq3A_10 : i1 to i32
    %cond3A_12 = arith.constant 0 : i32
    %cond3A_13 = arith.cmpi ne, %convert_element_type3A_11, %cond3A_12 : i32
    scf.if %cond3A_13 {
      "tpu.region"() ({
        %run_scoped3A = tpu.sem_alloc : memref<!tpu.dma_semaphore, #tpu.memory_space<semaphore_mem>>
        %dma_start3A = arith.constant 0 : i32
        %dma_start3A_43 = arith.constant 0 : i32
        %dma_start3A_44 = tpu.memref_slice %arg7[%dma_start3A, %dma_start3A_43] : memref<10000x128xf32, #tpu.memory_space<hbm>> -> memref<80x128xf32, #tpu.memory_space<hbm>>
        tpu.enqueue_dma source(%dma_start3A_44 : memref<80x128xf32, #tpu.memory_space<hbm>>) target(%arg19 : memref<80x128xf32, #tpu.memory_space<vmem_shared>>) target_semaphore(%run_scoped3A : memref<!tpu.dma_semaphore, #tpu.memory_space<semaphore_mem>>)
        %dma_wait3A = arith.constant 0 : i32
        %dma_wait3A_45 = arith.constant 0 : i32
        %dma_wait3A_46 = tpu.memref_slice %arg7[%dma_wait3A, %dma_wait3A_45] : memref<10000x128xf32, #tpu.memory_space<hbm>> -> memref<80x128xf32, #tpu.memory_space<hbm>>
        tpu.wait_dma2 semaphore(%run_scoped3A : memref<!tpu.dma_semaphore, #tpu.memory_space<semaphore_mem>>) src(%dma_wait3A_46 : memref<80x128xf32, #tpu.memory_space<hbm>>) dst(%arg19 : memref<80x128xf32, #tpu.memory_space<vmem_shared>>)
        tpu.yield
      }) : () -> ()
    } else {
    }
    %broadcast_in_dim3A = arith.constant 0 : i32
    %broadcast_in_dim3A_14 = vector.broadcast %broadcast_in_dim3A : i32 to vector<16xi32>
    %swap3A = arith.constant 80 : index
    %swap3A_15 = tpu.vector_load %arg12[%swap3A] {strides = array<i32>} : memref<96xi32, #tpu.memory_space<vmem>>, vector<16xi32>,
    %swap3A_16 = vector.shape_cast %swap3A_15 : vector<16xi32> to vector<16xi32>
    %swap3A_17 = vector.shape_cast %broadcast_in_dim3A_14 : vector<16xi32> to vector<16xi32>
    tpu.vector_store %arg12[%swap3A], %swap3A_17 {strides = array<i32>} : memref<96xi32, #tpu.memory_space<vmem>>, vector<16xi32>,
    %barrier3A = arith.constant 0 : index
    tpu.barrier barrier_id(%barrier3A)
    %mul3A_18 = arith.constant 10000 : i32
    %mul3A_19 = arith.muli %add3A, %mul3A_18 : i32
    %iota3A = tpu.iota {dimensions = array<i32: 0>} : vector<16xi32>
    %broadcast_in_dim3A_20 = arith.constant 0 : i32
    %broadcast_in_dim3A_21 = vector.broadcast %broadcast_in_dim3A_20 : i32 to vector<16x1xi32>
    %scan3A = arith.constant 0 : i32
    %scan3A_22 = arith.constant 0 : i32
    %scan3A_23 = arith.constant 125 : i32
    %scan3A_24 = arith.addi %scan3A_22, %scan3A_23 : i32
    %scan3A_25 = arith.constant 1 : i32
    scf.for %scan3A_43 = %scan3A_22 to %scan3A_24 step %scan3A_25  : i32 {
      %mul3A_44 = arith.constant 80 : i32
      %mul3A_45 = arith.muli %scan3A_43, %mul3A_44 : i32
      %add3A_46 = arith.addi %mul3A_19, %mul3A_45 : i32
      "tpu.region"() ({
        %run_scoped3A = tpu.sem_alloc : memref<!tpu.dma_semaphore, #tpu.memory_space<semaphore_mem>>
        %dma_start3A_155 = tpu.memref_slice %arg5[%add3A_46] : memref<320000xi32, #tpu.memory_space<hbm>> -> memref<80xi32, #tpu.memory_space<hbm>>
        %dma_start3A_156 = tpu.memref_slice %arg5[%add3A_46] : memref<320000xi32, #tpu.memory_space<hbm>> -> memref<80xi32, #tpu.memory_space<hbm>>
        tpu.enqueue_dma source(%dma_start3A_156 : memref<80xi32, #tpu.memory_space<hbm>>) target(%arg10 : memref<80xi32, #tpu.memory_space<vmem>>) target_semaphore(%run_scoped3A : memref<!tpu.dma_semaphore, #tpu.memory_space<semaphore_mem>>)
        %dma_wait3A_157 = tpu.memref_slice %arg5[%add3A_46] : memref<320000xi32, #tpu.memory_space<hbm>> -> memref<80xi32, #tpu.memory_space<hbm>>
        %dma_wait3A_158 = tpu.memref_slice %arg5[%add3A_46] : memref<320000xi32, #tpu.memory_space<hbm>> -> memref<80xi32, #tpu.memory_space<hbm>>
        tpu.wait_dma2 semaphore(%run_scoped3A : memref<!tpu.dma_semaphore, #tpu.memory_space<semaphore_mem>>) src(%dma_wait3A_158 : memref<80xi32, #tpu.memory_space<hbm>>) dst(%arg10 : memref<80xi32, #tpu.memory_space<vmem>>)
        tpu.yield
      }) : () -> ()
      "tpu.region"() ({
        %run_scoped3A = tpu.sem_alloc : memref<!tpu.dma_semaphore, #tpu.memory_space<semaphore_mem>>
        %dma_start3A_155 = tpu.memref_slice %arg6[%add3A_46] : memref<320000xi32, #tpu.memory_space<hbm>> -> memref<80xi32, #tpu.memory_space<hbm>>
        %dma_start3A_156 = tpu.memref_slice %arg6[%add3A_46] : memref<320000xi32, #tpu.memory_space<hbm>> -> memref<80xi32, #tpu.memory_space<hbm>>
        tpu.enqueue_dma source(%dma_start3A_156 : memref<80xi32, #tpu.memory_space<hbm>>) target(%arg11 : memref<80xi32, #tpu.memory_space<vmem>>) target_semaphore(%run_scoped3A : memref<!tpu.dma_semaphore, #tpu.memory_space<semaphore_mem>>)
        %dma_wait3A_157 = tpu.memref_slice %arg6[%add3A_46] : memref<320000xi32, #tpu.memory_space<hbm>> -> memref<80xi32, #tpu.memory_space<hbm>>
        %dma_wait3A_158 = tpu.memref_slice %arg6[%add3A_46] : memref<320000xi32, #tpu.memory_space<hbm>> -> memref<80xi32, #tpu.memory_space<hbm>>
        tpu.wait_dma2 semaphore(%run_scoped3A : memref<!tpu.dma_semaphore, #tpu.memory_space<semaphore_mem>>) src(%dma_wait3A_158 : memref<80xi32, #tpu.memory_space<hbm>>) dst(%arg11 : memref<80xi32, #tpu.memory_space<vmem>>)
        tpu.yield
      }) : () -> ()
      %dma_start3A = arith.constant 0 : i32
      %dma_start3A_47 = arith.constant 0 : i32
      %dma_start3A_48 = tpu.memref_slice %arg2[%dma_start3A, %dma_start3A_47] : memref<10000x128xf32, #tpu.memory_space<hbm>> -> memref<10000x128xf32, #tpu.memory_space<hbm>>
      tpu.enqueue_indirect_dma source(%dma_start3A_48 : memref<10000x128xf32, #tpu.memory_space<hbm>>) target(%arg14 : memref<80x128xf32, #tpu.memory_space<vmem>>) offsets(%arg11 : memref<80xi32, #tpu.memory_space<vmem>>) semaphore(%arg20 : memref<!tpu.dma_semaphore, #tpu.memory_space<semaphore_mem>>)
      %dma_start3A_49 = arith.constant 0 : i32
      %dma_start3A_50 = arith.constant 0 : i32
      %dma_start3A_51 = tpu.memref_slice %arg3[%dma_start3A_49, %dma_start3A_50] : memref<10000x128xf32, #tpu.memory_space<hbm>> -> memref<10000x128xf32, #tpu.memory_space<hbm>>
      tpu.enqueue_indirect_dma source(%dma_start3A_51 : memref<10000x128xf32, #tpu.memory_space<hbm>>) target(%arg15 : memref<80x128xf32, #tpu.memory_space<vmem>>) offsets(%arg10 : memref<80xi32, #tpu.memory_space<vmem>>) semaphore(%arg20 : memref<!tpu.dma_semaphore, #tpu.memory_space<semaphore_mem>>)
      %dma_start3A_52 = arith.constant 0 : i32
      %dma_start3A_53 = arith.constant 0 : i32
      %dma_start3A_54 = tpu.memref_slice %arg4[%dma_start3A_52, %dma_start3A_53] : memref<10000x128xf32, #tpu.memory_space<hbm>> -> memref<10000x128xf32, #tpu.memory_space<hbm>>
      tpu.enqueue_indirect_dma source(%dma_start3A_54 : memref<10000x128xf32, #tpu.memory_space<hbm>>) target(%arg16 : memref<80x128xf32, #tpu.memory_space<vmem>>) offsets(%arg10 : memref<80xi32, #tpu.memory_space<vmem>>) semaphore(%arg20 : memref<!tpu.dma_semaphore, #tpu.memory_space<semaphore_mem>>)
      %get3A = arith.constant 0 : index
      %get3A_55 = tpu.vector_load %arg11[%get3A] {strides = array<i32>} : memref<80xi32, #tpu.memory_space<vmem>>, vector<16xi32>,
      %get3A_56 = vector.shape_cast %get3A_55 : vector<16xi32> to vector<16xi32>
      %swap3A_57 = arith.constant 0 : index
      %swap3A_58 = tpu.vector_load %arg12[%swap3A_57] {strides = array<i32>} : memref<96xi32, #tpu.memory_space<vmem>>, vector<16xi32>,
      %swap3A_59 = vector.shape_cast %swap3A_58 : vector<16xi32> to vector<16xi32>
      %swap3A_60 = vector.shape_cast %get3A_56 : vector<16xi32> to vector<16xi32>
      tpu.vector_store %arg12[%swap3A_57], %swap3A_60 {strides = array<i32>} : memref<96xi32, #tpu.memory_space<vmem>>, vector<16xi32>,
      %shift_right_logical3A = arith.constant 7 : i32
      %shift_right_logical3A_61 = vector.broadcast %shift_right_logical3A : i32 to vector<16xi32>
      %shift_right_logical3A_62 = arith.shrui %get3A_56, %shift_right_logical3A_61 : vector<16xi32>
      %swap3A_63 = arith.constant 0 : index
      %swap3A_64 = tpu.vector_load %arg13[%swap3A_63] {strides = array<i32>} : memref<80xi32, #tpu.memory_space<vmem>>, vector<16xi32>,
      %swap3A_65 = vector.shape_cast %swap3A_64 : vector<16xi32> to vector<16xi32>
      %swap3A_66 = vector.shape_cast %shift_right_logical3A_62 : vector<16xi32> to vector<16xi32>
      tpu.vector_store %arg13[%swap3A_63], %swap3A_66 {strides = array<i32>} : memref<80xi32, #tpu.memory_space<vmem>>, vector<16xi32>,
      %get3A_67 = arith.constant 16 : index
      %get3A_68 = tpu.vector_load %arg11[%get3A_67] {strides = array<i32>} : memref<80xi32, #tpu.memory_space<vmem>>, vector<16xi32>,
      %get3A_69 = vector.shape_cast %get3A_68 : vector<16xi32> to vector<16xi32>
      %swap3A_70 = arith.constant 16 : index
      %swap3A_71 = tpu.vector_load %arg12[%swap3A_70] {strides = array<i32>} : memref<96xi32, #tpu.memory_space<vmem>>, vector<16xi32>,
      %swap3A_72 = vector.shape_cast %swap3A_71 : vector<16xi32> to vector<16xi32>
      %swap3A_73 = vector.shape_cast %get3A_69 : vector<16xi32> to vector<16xi32>
      tpu.vector_store %arg12[%swap3A_70], %swap3A_73 {strides = array<i32>} : memref<96xi32, #tpu.memory_space<vmem>>, vector<16xi32>,
      %shift_right_logical3A_74 = arith.constant 7 : i32
      %shift_right_logical3A_75 = vector.broadcast %shift_right_logical3A_74 : i32 to vector<16xi32>
      %shift_right_logical3A_76 = arith.shrui %get3A_69, %shift_right_logical3A_75 : vector<16xi32>
      %swap3A_77 = arith.constant 16 : index
      %swap3A_78 = tpu.vector_load %arg13[%swap3A_77] {strides = array<i32>} : memref<80xi32, #tpu.memory_space<vmem>>, vector<16xi32>,
      %swap3A_79 = vector.shape_cast %swap3A_78 : vector<16xi32> to vector<16xi32>
      %swap3A_80 = vector.shape_cast %shift_right_logical3A_76 : vector<16xi32> to vector<16xi32>
      tpu.vector_store %arg13[%swap3A_77], %swap3A_80 {strides = array<i32>} : memref<80xi32, #tpu.memory_space<vmem>>, vector<16xi32>,
      %get3A_81 = arith.constant 32 : index
      %get3A_82 = tpu.vector_load %arg11[%get3A_81] {strides = array<i32>} : memref<80xi32, #tpu.memory_space<vmem>>, vector<16xi32>,
      %get3A_83 = vector.shape_cast %get3A_82 : vector<16xi32> to vector<16xi32>
      %swap3A_84 = arith.constant 32 : index
      %swap3A_85 = tpu.vector_load %arg12[%swap3A_84] {strides = array<i32>} : memref<96xi32, #tpu.memory_space<vmem>>, vector<16xi32>,
      %swap3A_86 = vector.shape_cast %swap3A_85 : vector<16xi32> to vector<16xi32>
      %swap3A_87 = vector.shape_cast %get3A_83 : vector<16xi32> to vector<16xi32>
      tpu.vector_store %arg12[%swap3A_84], %swap3A_87 {strides = array<i32>} : memref<96xi32, #tpu.memory_space<vmem>>, vector<16xi32>,
      %shift_right_logical3A_88 = arith.constant 7 : i32
      %shift_right_logical3A_89 = vector.broadcast %shift_right_logical3A_88 : i32 to vector<16xi32>
      %shift_right_logical3A_90 = arith.shrui %get3A_83, %shift_right_logical3A_89 : vector<16xi32>
      %swap3A_91 = arith.constant 32 : index
      %swap3A_92 = tpu.vector_load %arg13[%swap3A_91] {strides = array<i32>} : memref<80xi32, #tpu.memory_space<vmem>>, vector<16xi32>,
      %swap3A_93 = vector.shape_cast %swap3A_92 : vector<16xi32> to vector<16xi32>
      %swap3A_94 = vector.shape_cast %shift_right_logical3A_90 : vector<16xi32> to vector<16xi32>
      tpu.vector_store %arg13[%swap3A_91], %swap3A_94 {strides = array<i32>} : memref<80xi32, #tpu.memory_space<vmem>>, vector<16xi32>,
      %get3A_95 = arith.constant 48 : index
      %get3A_96 = tpu.vector_load %arg11[%get3A_95] {strides = array<i32>} : memref<80xi32, #tpu.memory_space<vmem>>, vector<16xi32>,
      %get3A_97 = vector.shape_cast %get3A_96 : vector<16xi32> to vector<16xi32>
      %swap3A_98 = arith.constant 48 : index
      %swap3A_99 = tpu.vector_load %arg12[%swap3A_98] {strides = array<i32>} : memref<96xi32, #tpu.memory_space<vmem>>, vector<16xi32>,
      %swap3A_100 = vector.shape_cast %swap3A_99 : vector<16xi32> to vector<16xi32>
      %swap3A_101 = vector.shape_cast %get3A_97 : vector<16xi32> to vector<16xi32>
      tpu.vector_store %arg12[%swap3A_98], %swap3A_101 {strides = array<i32>} : memref<96xi32, #tpu.memory_space<vmem>>, vector<16xi32>,
      %shift_right_logical3A_102 = arith.constant 7 : i32
      %shift_right_logical3A_103 = vector.broadcast %shift_right_logical3A_102 : i32 to vector<16xi32>
      %shift_right_logical3A_104 = arith.shrui %get3A_97, %shift_right_logical3A_103 : vector<16xi32>
      %swap3A_105 = arith.constant 48 : index
      %swap3A_106 = tpu.vector_load %arg13[%swap3A_105] {strides = array<i32>} : memref<80xi32, #tpu.memory_space<vmem>>, vector<16xi32>,
      %swap3A_107 = vector.shape_cast %swap3A_106 : vector<16xi32> to vector<16xi32>
      %swap3A_108 = vector.shape_cast %shift_right_logical3A_104 : vector<16xi32> to vector<16xi32>
      tpu.vector_store %arg13[%swap3A_105], %swap3A_108 {strides = array<i32>} : memref<80xi32, #tpu.memory_space<vmem>>, vector<16xi32>,
      %get3A_109 = arith.constant 64 : index
      %get3A_110 = tpu.vector_load %arg11[%get3A_109] {strides = array<i32>} : memref<80xi32, #tpu.memory_space<vmem>>, vector<16xi32>,
      %get3A_111 = vector.shape_cast %get3A_110 : vector<16xi32> to vector<16xi32>
      %swap3A_112 = arith.constant 64 : index
      %swap3A_113 = tpu.vector_load %arg12[%swap3A_112] {strides = array<i32>} : memref<96xi32, #tpu.memory_space<vmem>>, vector<16xi32>,
      %swap3A_114 = vector.shape_cast %swap3A_113 : vector<16xi32> to vector<16xi32>
      %swap3A_115 = vector.shape_cast %get3A_111 : vector<16xi32> to vector<16xi32>
      tpu.vector_store %arg12[%swap3A_112], %swap3A_115 {strides = array<i32>} : memref<96xi32, #tpu.memory_space<vmem>>, vector<16xi32>,
      %shift_right_logical3A_116 = arith.constant 7 : i32
      %shift_right_logical3A_117 = vector.broadcast %shift_right_logical3A_116 : i32 to vector<16xi32>
      %shift_right_logical3A_118 = arith.shrui %get3A_111, %shift_right_logical3A_117 : vector<16xi32>
      %swap3A_119 = arith.constant 64 : index
      %swap3A_120 = tpu.vector_load %arg13[%swap3A_119] {strides = array<i32>} : memref<80xi32, #tpu.memory_space<vmem>>, vector<16xi32>,
      %swap3A_121 = vector.shape_cast %swap3A_120 : vector<16xi32> to vector<16xi32>
      %swap3A_122 = vector.shape_cast %shift_right_logical3A_118 : vector<16xi32> to vector<16xi32>
      tpu.vector_store %arg13[%swap3A_119], %swap3A_122 {strides = array<i32>} : memref<80xi32, #tpu.memory_space<vmem>>, vector<16xi32>,
      %dma_wait3A = arith.constant 0 : i32
      %dma_wait3A_123 = arith.constant 0 : i32
      %dma_wait3A_124 = tpu.memref_slice %arg2[%dma_wait3A, %dma_wait3A_123] : memref<10000x128xf32, #tpu.memory_space<hbm>> -> memref<10000x128xf32, #tpu.memory_space<hbm>>
      tpu.wait_indirect_dma semaphore(%arg20 : memref<!tpu.dma_semaphore, #tpu.memory_space<semaphore_mem>>) src(%dma_wait3A_124 : memref<10000x128xf32, #tpu.memory_space<hbm>>) dst(%arg14 : memref<80x128xf32, #tpu.memory_space<vmem>>)
      %dma_wait3A_125 = arith.constant 0 : i32
      %dma_wait3A_126 = arith.constant 0 : i32
      %dma_wait3A_127 = tpu.memref_slice %arg3[%dma_wait3A_125, %dma_wait3A_126] : memref<10000x128xf32, #tpu.memory_space<hbm>> -> memref<10000x128xf32, #tpu.memory_space<hbm>>
      tpu.wait_indirect_dma semaphore(%arg20 : memref<!tpu.dma_semaphore, #tpu.memory_space<semaphore_mem>>) src(%dma_wait3A_127 : memref<10000x128xf32, #tpu.memory_space<hbm>>) dst(%arg15 : memref<80x128xf32, #tpu.memory_space<vmem>>)
      %dma_wait3A_128 = arith.constant 0 : i32
      %dma_wait3A_129 = arith.constant 0 : i32
      %dma_wait3A_130 = tpu.memref_slice %arg4[%dma_wait3A_128, %dma_wait3A_129] : memref<10000x128xf32, #tpu.memory_space<hbm>> -> memref<10000x128xf32, #tpu.memory_space<hbm>>
      tpu.wait_indirect_dma semaphore(%arg20 : memref<!tpu.dma_semaphore, #tpu.memory_space<semaphore_mem>>) src(%dma_wait3A_130 : memref<10000x128xf32, #tpu.memory_space<hbm>>) dst(%arg16 : memref<80x128xf32, #tpu.memory_space<vmem>>)
      %scan3A_131 = arith.constant 0 : i32
      %scan3A_132 = arith.constant 0 : i32
      %scan3A_133 = arith.constant 80 : i32
      %scan3A_134 = arith.addi %scan3A_132, %scan3A_133 : i32
      %scan3A_135 = arith.constant 1 : i32
      scf.for %scan3A_155 = %scan3A_132 to %scan3A_134 step %scan3A_135  : i32 {
        %get3A_156 = arith.index_cast %scan3A_155 : i32 to index
        %get3A_157 = arith.constant 0 : index
        %get3A_158 = tpu.vector_load %arg14[%get3A_156, %get3A_157] {strides = array<i32>} : memref<80x128xf32, #tpu.memory_space<vmem>>, vector<1x16xf32>,
        %get3A_159 = vector.shape_cast %get3A_158 : vector<1x16xf32> to vector<16xf32>
        %get3A_160 = arith.index_cast %scan3A_155 : i32 to index
        %get3A_161 = arith.constant 0 : index
        %get3A_162 = tpu.vector_load %arg15[%get3A_160, %get3A_161] {strides = array<i32>} : memref<80x128xf32, #tpu.memory_space<vmem>>, vector<1x16xf32>,
        %get3A_163 = vector.shape_cast %get3A_162 : vector<1x16xf32> to vector<16xf32>
        %mul3A_164 = arith.mulf %get3A_159, %get3A_163 : vector<16xf32>
        %get3A_165 = arith.index_cast %scan3A_155 : i32 to index
        %get3A_166 = arith.constant 16 : index
        %get3A_167 = tpu.vector_load %arg14[%get3A_165, %get3A_166] {strides = array<i32>} : memref<80x128xf32, #tpu.memory_space<vmem>>, vector<1x16xf32>,
        %get3A_168 = vector.shape_cast %get3A_167 : vector<1x16xf32> to vector<16xf32>
        %get3A_169 = arith.index_cast %scan3A_155 : i32 to index
        %get3A_170 = arith.constant 16 : index
        %get3A_171 = tpu.vector_load %arg15[%get3A_169, %get3A_170] {strides = array<i32>} : memref<80x128xf32, #tpu.memory_space<vmem>>, vector<1x16xf32>,
        %get3A_172 = vector.shape_cast %get3A_171 : vector<1x16xf32> to vector<16xf32>
        %mul3A_173 = arith.mulf %get3A_168, %get3A_172 : vector<16xf32>
        %add3A_174 = arith.addf %mul3A_164, %mul3A_173 : vector<16xf32>
        %get3A_175 = arith.index_cast %scan3A_155 : i32 to index
        %get3A_176 = arith.constant 32 : index
        %get3A_177 = tpu.vector_load %arg14[%get3A_175, %get3A_176] {strides = array<i32>} : memref<80x128xf32, #tpu.memory_space<vmem>>, vector<1x16xf32>,
        %get3A_178 = vector.shape_cast %get3A_177 : vector<1x16xf32> to vector<16xf32>
        %get3A_179 = arith.index_cast %scan3A_155 : i32 to index
        %get3A_180 = arith.constant 32 : index
        %get3A_181 = tpu.vector_load %arg15[%get3A_179, %get3A_180] {strides = array<i32>} : memref<80x128xf32, #tpu.memory_space<vmem>>, vector<1x16xf32>,
        %get3A_182 = vector.shape_cast %get3A_181 : vector<1x16xf32> to vector<16xf32>
        %mul3A_183 = arith.mulf %get3A_178, %get3A_182 : vector<16xf32>
        %add3A_184 = arith.addf %add3A_174, %mul3A_183 : vector<16xf32>
        %get3A_185 = arith.index_cast %scan3A_155 : i32 to index
        %get3A_186 = arith.constant 48 : index
        %get3A_187 = tpu.vector_load %arg14[%get3A_185, %get3A_186] {strides = array<i32>} : memref<80x128xf32, #tpu.memory_space<vmem>>, vector<1x16xf32>,
        %get3A_188 = vector.shape_cast %get3A_187 : vector<1x16xf32> to vector<16xf32>
        %get3A_189 = arith.index_cast %scan3A_155 : i32 to index
        %get3A_190 = arith.constant 48 : index
        %get3A_191 = tpu.vector_load %arg15[%get3A_189, %get3A_190] {strides = array<i32>} : memref<80x128xf32, #tpu.memory_space<vmem>>, vector<1x16xf32>,
        %get3A_192 = vector.shape_cast %get3A_191 : vector<1x16xf32> to vector<16xf32>
        %mul3A_193 = arith.mulf %get3A_188, %get3A_192 : vector<16xf32>
        %add3A_194 = arith.addf %add3A_184, %mul3A_193 : vector<16xf32>
        %get3A_195 = arith.index_cast %scan3A_155 : i32 to index
        %get3A_196 = arith.constant 64 : index
        %get3A_197 = tpu.vector_load %arg14[%get3A_195, %get3A_196] {strides = array<i32>} : memref<80x128xf32, #tpu.memory_space<vmem>>, vector<1x16xf32>,
        %get3A_198 = vector.shape_cast %get3A_197 : vector<1x16xf32> to vector<16xf32>
        %get3A_199 = arith.index_cast %scan3A_155 : i32 to index
        %get3A_200 = arith.constant 64 : index
        %get3A_201 = tpu.vector_load %arg15[%get3A_199, %get3A_200] {strides = array<i32>} : memref<80x128xf32, #tpu.memory_space<vmem>>, vector<1x16xf32>,
        %get3A_202 = vector.shape_cast %get3A_201 : vector<1x16xf32> to vector<16xf32>
        %mul3A_203 = arith.mulf %get3A_198, %get3A_202 : vector<16xf32>
        %add3A_204 = arith.addf %add3A_194, %mul3A_203 : vector<16xf32>
        %get3A_205 = arith.index_cast %scan3A_155 : i32 to index
        %get3A_206 = arith.constant 80 : index
        %get3A_207 = tpu.vector_load %arg14[%get3A_205, %get3A_206] {strides = array<i32>} : memref<80x128xf32, #tpu.memory_space<vmem>>, vector<1x16xf32>,
        %get3A_208 = vector.shape_cast %get3A_207 : vector<1x16xf32> to vector<16xf32>
        %get3A_209 = arith.index_cast %scan3A_155 : i32 to index
        %get3A_210 = arith.constant 80 : index
        %get3A_211 = tpu.vector_load %arg15[%get3A_209, %get3A_210] {strides = array<i32>} : memref<80x128xf32, #tpu.memory_space<vmem>>, vector<1x16xf32>,
        %get3A_212 = vector.shape_cast %get3A_211 : vector<1x16xf32> to vector<16xf32>
        %mul3A_213 = arith.mulf %get3A_208, %get3A_212 : vector<16xf32>
        %add3A_214 = arith.addf %add3A_204, %mul3A_213 : vector<16xf32>
        %get3A_215 = arith.index_cast %scan3A_155 : i32 to index
        %get3A_216 = arith.constant 96 : index
        %get3A_217 = tpu.vector_load %arg14[%get3A_215, %get3A_216] {strides = array<i32>} : memref<80x128xf32, #tpu.memory_space<vmem>>, vector<1x16xf32>,
        %get3A_218 = vector.shape_cast %get3A_217 : vector<1x16xf32> to vector<16xf32>
        %get3A_219 = arith.index_cast %scan3A_155 : i32 to index
        %get3A_220 = arith.constant 96 : index
        %get3A_221 = tpu.vector_load %arg15[%get3A_219, %get3A_220] {strides = array<i32>} : memref<80x128xf32, #tpu.memory_space<vmem>>, vector<1x16xf32>,
        %get3A_222 = vector.shape_cast %get3A_221 : vector<1x16xf32> to vector<16xf32>
        %mul3A_223 = arith.mulf %get3A_218, %get3A_222 : vector<16xf32>
        %add3A_224 = arith.addf %add3A_214, %mul3A_223 : vector<16xf32>
        %get3A_225 = arith.index_cast %scan3A_155 : i32 to index
        %get3A_226 = arith.constant 112 : index
        %get3A_227 = tpu.vector_load %arg14[%get3A_225, %get3A_226] {strides = array<i32>} : memref<80x128xf32, #tpu.memory_space<vmem>>, vector<1x16xf32>,
        %get3A_228 = vector.shape_cast %get3A_227 : vector<1x16xf32> to vector<16xf32>
        %get3A_229 = arith.index_cast %scan3A_155 : i32 to index
        %get3A_230 = arith.constant 112 : index
        %get3A_231 = tpu.vector_load %arg15[%get3A_229, %get3A_230] {strides = array<i32>} : memref<80x128xf32, #tpu.memory_space<vmem>>, vector<1x16xf32>,
        %get3A_232 = vector.shape_cast %get3A_231 : vector<1x16xf32> to vector<16xf32>
        %mul3A_233 = arith.mulf %get3A_228, %get3A_232 : vector<16xf32>
        %add3A_234 = arith.addf %add3A_224, %mul3A_233 : vector<16xf32>
        %xor3A = arith.constant 8 : i32
        %xor3A_235 = vector.broadcast %xor3A : i32 to vector<16xi32>
        %xor3A_236 = arith.xori %iota3A, %xor3A_235 : vector<16xi32>
        %reshape3A = vector.shape_cast %xor3A_236 : vector<16xi32> to vector<16x1xi32>
        %gather3A = vector.shape_cast %reshape3A : vector<16x1xi32> to vector<16xi32>
        %gather3A_237 = tpu.dynamic_gather %add3A_234[%gather3A] in [0] : vector<16xf32>, vector<16xi32> -> vector<16xf32>
        %add3A_238 = arith.addf %add3A_234, %gather3A_237 : vector<16xf32>
        %xor3A_239 = arith.constant 4 : i32
        %xor3A_240 = vector.broadcast %xor3A_239 : i32 to vector<16xi32>
        %xor3A_241 = arith.xori %iota3A, %xor3A_240 : vector<16xi32>
        %reshape3A_242 = vector.shape_cast %xor3A_241 : vector<16xi32> to vector<16x1xi32>
        %gather3A_243 = vector.shape_cast %reshape3A_242 : vector<16x1xi32> to vector<16xi32>
        %gather3A_244 = tpu.dynamic_gather %add3A_238[%gather3A_243] in [0] : vector<16xf32>, vector<16xi32> -> vector<16xf32>
        %add3A_245 = arith.addf %add3A_238, %gather3A_244 : vector<16xf32>
        %xor3A_246 = arith.constant 2 : i32
        %xor3A_247 = vector.broadcast %xor3A_246 : i32 to vector<16xi32>
        %xor3A_248 = arith.xori %iota3A, %xor3A_247 : vector<16xi32>
        %reshape3A_249 = vector.shape_cast %xor3A_248 : vector<16xi32> to vector<16x1xi32>
        %gather3A_250 = vector.shape_cast %reshape3A_249 : vector<16x1xi32> to vector<16xi32>
        %gather3A_251 = tpu.dynamic_gather %add3A_245[%gather3A_250] in [0] : vector<16xf32>, vector<16xi32> -> vector<16xf32>
        %add3A_252 = arith.addf %add3A_245, %gather3A_251 : vector<16xf32>
        %xor3A_253 = arith.constant 1 : i32
        %xor3A_254 = vector.broadcast %xor3A_253 : i32 to vector<16xi32>
        %xor3A_255 = arith.xori %iota3A, %xor3A_254 : vector<16xi32>
        %reshape3A_256 = vector.shape_cast %xor3A_255 : vector<16xi32> to vector<16x1xi32>
        %gather3A_257 = vector.shape_cast %reshape3A_256 : vector<16x1xi32> to vector<16xi32>
        %gather3A_258 = tpu.dynamic_gather %add3A_252[%gather3A_257] in [0] : vector<16xf32>, vector<16xi32> -> vector<16xf32>
        %add3A_259 = arith.addf %add3A_252, %gather3A_258 : vector<16xf32>
        %mul3A_260 = arith.constant 0.0883883461 : f32
        %mul3A_261 = vector.broadcast %mul3A_260 : f32 to vector<16xf32>
        %mul3A_262 = arith.mulf %add3A_259, %mul3A_261 : vector<16xf32>
        %exp3A = math.exp %mul3A_262 : vector<16xf32>
        %get3A_263 = arith.index_cast %scan3A_155 : i32 to index
        %get3A_264 = arith.constant 0 : index
        %get3A_265 = tpu.vector_load %arg16[%get3A_263, %get3A_264] {strides = array<i32>} : memref<80x128xf32, #tpu.memory_space<vmem>>, vector<1x16xf32>,
        %get3A_266 = vector.shape_cast %get3A_265 : vector<1x16xf32> to vector<16xf32>
        %mul3A_267 = arith.mulf %get3A_266, %exp3A : vector<16xf32>
        %swap3A_268 = arith.index_cast %scan3A_155 : i32 to index
        %swap3A_269 = arith.constant 0 : index
        %swap3A_270 = tpu.vector_load %arg17[%swap3A_268, %swap3A_269] {strides = array<i32>} : memref<80x128xf32, #tpu.memory_space<vmem>>, vector<1x16xf32>,
        %swap3A_271 = vector.shape_cast %swap3A_270 : vector<1x16xf32> to vector<16xf32>
        %swap3A_272 = vector.shape_cast %mul3A_267 : vector<16xf32> to vector<1x16xf32>
        tpu.vector_store %arg17[%swap3A_268, %swap3A_269], %swap3A_272 {strides = array<i32>} : memref<80x128xf32, #tpu.memory_space<vmem>>, vector<1x16xf32>,
        %get3A_273 = arith.index_cast %scan3A_155 : i32 to index
        %get3A_274 = arith.constant 16 : index
        %get3A_275 = tpu.vector_load %arg16[%get3A_273, %get3A_274] {strides = array<i32>} : memref<80x128xf32, #tpu.memory_space<vmem>>, vector<1x16xf32>,
        %get3A_276 = vector.shape_cast %get3A_275 : vector<1x16xf32> to vector<16xf32>
        %mul3A_277 = arith.mulf %get3A_276, %exp3A : vector<16xf32>
        %swap3A_278 = arith.index_cast %scan3A_155 : i32 to index
        %swap3A_279 = arith.constant 16 : index
        %swap3A_280 = tpu.vector_load %arg17[%swap3A_278, %swap3A_279] {strides = array<i32>} : memref<80x128xf32, #tpu.memory_space<vmem>>, vector<1x16xf32>,
        %swap3A_281 = vector.shape_cast %swap3A_280 : vector<1x16xf32> to vector<16xf32>
        %swap3A_282 = vector.shape_cast %mul3A_277 : vector<16xf32> to vector<1x16xf32>
        tpu.vector_store %arg17[%swap3A_278, %swap3A_279], %swap3A_282 {strides = array<i32>} : memref<80x128xf32, #tpu.memory_space<vmem>>, vector<1x16xf32>,
        %get3A_283 = arith.index_cast %scan3A_155 : i32 to index
        %get3A_284 = arith.constant 32 : index
        %get3A_285 = tpu.vector_load %arg16[%get3A_283, %get3A_284] {strides = array<i32>} : memref<80x128xf32, #tpu.memory_space<vmem>>, vector<1x16xf32>,
        %get3A_286 = vector.shape_cast %get3A_285 : vector<1x16xf32> to vector<16xf32>
        %mul3A_287 = arith.mulf %get3A_286, %exp3A : vector<16xf32>
        %swap3A_288 = arith.index_cast %scan3A_155 : i32 to index
        %swap3A_289 = arith.constant 32 : index
        %swap3A_290 = tpu.vector_load %arg17[%swap3A_288, %swap3A_289] {strides = array<i32>} : memref<80x128xf32, #tpu.memory_space<vmem>>, vector<1x16xf32>,
        %swap3A_291 = vector.shape_cast %swap3A_290 : vector<1x16xf32> to vector<16xf32>
        %swap3A_292 = vector.shape_cast %mul3A_287 : vector<16xf32> to vector<1x16xf32>
        tpu.vector_store %arg17[%swap3A_288, %swap3A_289], %swap3A_292 {strides = array<i32>} : memref<80x128xf32, #tpu.memory_space<vmem>>, vector<1x16xf32>,
        %get3A_293 = arith.index_cast %scan3A_155 : i32 to index
        %get3A_294 = arith.constant 48 : index
        %get3A_295 = tpu.vector_load %arg16[%get3A_293, %get3A_294] {strides = array<i32>} : memref<80x128xf32, #tpu.memory_space<vmem>>, vector<1x16xf32>,
        %get3A_296 = vector.shape_cast %get3A_295 : vector<1x16xf32> to vector<16xf32>
        %mul3A_297 = arith.mulf %get3A_296, %exp3A : vector<16xf32>
        %swap3A_298 = arith.index_cast %scan3A_155 : i32 to index
        %swap3A_299 = arith.constant 48 : index
        %swap3A_300 = tpu.vector_load %arg17[%swap3A_298, %swap3A_299] {strides = array<i32>} : memref<80x128xf32, #tpu.memory_space<vmem>>, vector<1x16xf32>,
        %swap3A_301 = vector.shape_cast %swap3A_300 : vector<1x16xf32> to vector<16xf32>
        %swap3A_302 = vector.shape_cast %mul3A_297 : vector<16xf32> to vector<1x16xf32>
        tpu.vector_store %arg17[%swap3A_298, %swap3A_299], %swap3A_302 {strides = array<i32>} : memref<80x128xf32, #tpu.memory_space<vmem>>, vector<1x16xf32>,
        %get3A_303 = arith.index_cast %scan3A_155 : i32 to index
        %get3A_304 = arith.constant 64 : index
        %get3A_305 = tpu.vector_load %arg16[%get3A_303, %get3A_304] {strides = array<i32>} : memref<80x128xf32, #tpu.memory_space<vmem>>, vector<1x16xf32>,
        %get3A_306 = vector.shape_cast %get3A_305 : vector<1x16xf32> to vector<16xf32>
        %mul3A_307 = arith.mulf %get3A_306, %exp3A : vector<16xf32>
        %swap3A_308 = arith.index_cast %scan3A_155 : i32 to index
        %swap3A_309 = arith.constant 64 : index
        %swap3A_310 = tpu.vector_load %arg17[%swap3A_308, %swap3A_309] {strides = array<i32>} : memref<80x128xf32, #tpu.memory_space<vmem>>, vector<1x16xf32>,
        %swap3A_311 = vector.shape_cast %swap3A_310 : vector<1x16xf32> to vector<16xf32>
        %swap3A_312 = vector.shape_cast %mul3A_307 : vector<16xf32> to vector<1x16xf32>
        tpu.vector_store %arg17[%swap3A_308, %swap3A_309], %swap3A_312 {strides = array<i32>} : memref<80x128xf32, #tpu.memory_space<vmem>>, vector<1x16xf32>,
        %get3A_313 = arith.index_cast %scan3A_155 : i32 to index
        %get3A_314 = arith.constant 80 : index
        %get3A_315 = tpu.vector_load %arg16[%get3A_313, %get3A_314] {strides = array<i32>} : memref<80x128xf32, #tpu.memory_space<vmem>>, vector<1x16xf32>,
        %get3A_316 = vector.shape_cast %get3A_315 : vector<1x16xf32> to vector<16xf32>
        %mul3A_317 = arith.mulf %get3A_316, %exp3A : vector<16xf32>
        %swap3A_318 = arith.index_cast %scan3A_155 : i32 to index
        %swap3A_319 = arith.constant 80 : index
        %swap3A_320 = tpu.vector_load %arg17[%swap3A_318, %swap3A_319] {strides = array<i32>} : memref<80x128xf32, #tpu.memory_space<vmem>>, vector<1x16xf32>,
        %swap3A_321 = vector.shape_cast %swap3A_320 : vector<1x16xf32> to vector<16xf32>
        %swap3A_322 = vector.shape_cast %mul3A_317 : vector<16xf32> to vector<1x16xf32>
        tpu.vector_store %arg17[%swap3A_318, %swap3A_319], %swap3A_322 {strides = array<i32>} : memref<80x128xf32, #tpu.memory_space<vmem>>, vector<1x16xf32>,
        %get3A_323 = arith.index_cast %scan3A_155 : i32 to index
        %get3A_324 = arith.constant 96 : index
        %get3A_325 = tpu.vector_load %arg16[%get3A_323, %get3A_324] {strides = array<i32>} : memref<80x128xf32, #tpu.memory_space<vmem>>, vector<1x16xf32>,
        %get3A_326 = vector.shape_cast %get3A_325 : vector<1x16xf32> to vector<16xf32>
        %mul3A_327 = arith.mulf %get3A_326, %exp3A : vector<16xf32>
        %swap3A_328 = arith.index_cast %scan3A_155 : i32 to index
        %swap3A_329 = arith.constant 96 : index
        %swap3A_330 = tpu.vector_load %arg17[%swap3A_328, %swap3A_329] {strides = array<i32>} : memref<80x128xf32, #tpu.memory_space<vmem>>, vector<1x16xf32>,
        %swap3A_331 = vector.shape_cast %swap3A_330 : vector<1x16xf32> to vector<16xf32>
        %swap3A_332 = vector.shape_cast %mul3A_327 : vector<16xf32> to vector<1x16xf32>
        tpu.vector_store %arg17[%swap3A_328, %swap3A_329], %swap3A_332 {strides = array<i32>} : memref<80x128xf32, #tpu.memory_space<vmem>>, vector<1x16xf32>,
        %get3A_333 = arith.index_cast %scan3A_155 : i32 to index
        %get3A_334 = arith.constant 112 : index
        %get3A_335 = tpu.vector_load %arg16[%get3A_333, %get3A_334] {strides = array<i32>} : memref<80x128xf32, #tpu.memory_space<vmem>>, vector<1x16xf32>,
        %get3A_336 = vector.shape_cast %get3A_335 : vector<1x16xf32> to vector<16xf32>
        %mul3A_337 = arith.mulf %get3A_336, %exp3A : vector<16xf32>
        %swap3A_338 = arith.index_cast %scan3A_155 : i32 to index
        %swap3A_339 = arith.constant 112 : index
        %swap3A_340 = tpu.vector_load %arg17[%swap3A_338, %swap3A_339] {strides = array<i32>} : memref<80x128xf32, #tpu.memory_space<vmem>>, vector<1x16xf32>,
        %swap3A_341 = vector.shape_cast %swap3A_340 : vector<1x16xf32> to vector<16xf32>
        %swap3A_342 = vector.shape_cast %mul3A_337 : vector<16xf32> to vector<1x16xf32>
        tpu.vector_store %arg17[%swap3A_338, %swap3A_339], %swap3A_342 {strides = array<i32>} : memref<80x128xf32, #tpu.memory_space<vmem>>, vector<1x16xf32>,
        %swap3A_343 = arith.index_cast %scan3A_155 : i32 to index
        %swap3A_344 = arith.constant 0 : index
        %swap3A_345 = tpu.vector_load %arg14[%swap3A_343, %swap3A_344] {strides = array<i32>} : memref<80x128xf32, #tpu.memory_space<vmem>>, vector<1x16xf32>,
        %swap3A_346 = vector.shape_cast %swap3A_345 : vector<1x16xf32> to vector<16xf32>
        %swap3A_347 = vector.shape_cast %exp3A : vector<16xf32> to vector<1x16xf32>
        tpu.vector_store %arg14[%swap3A_343, %swap3A_344], %swap3A_347 {strides = array<i32>} : memref<80x128xf32, #tpu.memory_space<vmem>>, vector<1x16xf32>,
      }
      %scan3A_136 = arith.constant 80 : i32
      %dma_start3A_137 = arith.constant 0 : i32
      %dma_start3A_138 = arith.constant 0 : i32
      %dma_start3A_139 = tpu.memref_slice %arg18[%dma_start3A_137, %dma_start3A_138] : memref<10000x128xf32, #tpu.memory_space<vmem_shared>> -> memref<10000x128xf32, #tpu.memory_space<vmem_shared>>
      tpu.enqueue_indirect_dma source(%arg17 : memref<80x128xf32, #tpu.memory_space<vmem>>) target(%dma_start3A_139 : memref<10000x128xf32, #tpu.memory_space<vmem_shared>>) offsets(%arg11 : memref<80xi32, #tpu.memory_space<vmem>>) semaphore(%arg20 : memref<!tpu.dma_semaphore, #tpu.memory_space<semaphore_mem>>) {add = true}
      %scan3A_140 = arith.constant 0 : i32
      %scan3A_141 = arith.constant 0 : i32
      %scan3A_142 = arith.constant 80 : i32
      %scan3A_143 = arith.addi %scan3A_141, %scan3A_142 : i32
      %scan3A_144 = arith.constant 1 : i32
      scf.for %scan3A_155 = %scan3A_141 to %scan3A_143 step %scan3A_144  : i32 {
        %get3A_156 = arith.index_cast %scan3A_155 : i32 to index
        %get3A_157 = arith.constant 0 : index
        %get3A_158 = tpu.vector_load %arg14[%get3A_156, %get3A_157] {strides = array<i32>} : memref<80x128xf32, #tpu.memory_space<vmem>>, vector<1x16xf32>,
        %get3A_159 = vector.shape_cast %get3A_158 : vector<1x16xf32> to vector<16xf32>
        %get3A_160 = arith.index_cast %scan3A_155 : i32 to index
        %get3A_161 = tpu.vector_load %arg12[%get3A_160] {strides = array<i32>} : memref<96xi32, #tpu.memory_space<vmem>>, vector<16xi32>,
        %get3A_162 = vector.shape_cast %get3A_161 : vector<16xi32> to vector<16xi32>
        %gather3A = vector.shape_cast %broadcast_in_dim3A_21 : vector<16x1xi32> to vector<16xi32>
        %gather3A_163 = tpu.dynamic_gather %get3A_162[%gather3A] in [0] : vector<16xi32>, vector<16xi32> -> vector<16xi32>
        %and3A = arith.constant 127 : i32
        %and3A_164 = vector.broadcast %and3A : i32 to vector<16xi32>
        %and3A_165 = arith.andi %gather3A_163, %and3A_164 : vector<16xi32>
        %add3A_166 = arith.constant 0 : i32
        %add3A_167 = vector.broadcast %add3A_166 : i32 to vector<16xi32>
        %add3A_168 = arith.addi %iota3A, %add3A_167 : vector<16xi32>
        %eq3A_169 = arith.cmpi eq, %add3A_168, %and3A_165 : vector<16xi32>
        %broadcast_in_dim3A_170 = arith.constant 0.000000e+00 : f32
        %broadcast_in_dim3A_171 = vector.broadcast %broadcast_in_dim3A_170 : f32 to vector<16xf32>
        %select_n3A = arith.select %eq3A_169, %get3A_159, %broadcast_in_dim3A_171 : vector<16xi1>, vector<16xf32>
        %swap3A_172 = arith.index_cast %scan3A_155 : i32 to index
        %swap3A_173 = arith.constant 0 : index
        %swap3A_174 = tpu.vector_load %arg14[%swap3A_172, %swap3A_173] {strides = array<i32>} : memref<80x128xf32, #tpu.memory_space<vmem>>, vector<1x16xf32>,
        %swap3A_175 = vector.shape_cast %swap3A_174 : vector<1x16xf32> to vector<16xf32>
        %swap3A_176 = vector.shape_cast %select_n3A : vector<16xf32> to vector<1x16xf32>
        tpu.vector_store %arg14[%swap3A_172, %swap3A_173], %swap3A_176 {strides = array<i32>} : memref<80x128xf32, #tpu.memory_space<vmem>>, vector<1x16xf32>,
        %add3A_177 = arith.constant 16 : i32
        %add3A_178 = vector.broadcast %add3A_177 : i32 to vector<16xi32>
        %add3A_179 = arith.addi %iota3A, %add3A_178 : vector<16xi32>
        %eq3A_180 = arith.cmpi eq, %add3A_179, %and3A_165 : vector<16xi32>
        %broadcast_in_dim3A_181 = arith.constant 0.000000e+00 : f32
        %broadcast_in_dim3A_182 = vector.broadcast %broadcast_in_dim3A_181 : f32 to vector<16xf32>
        %select_n3A_183 = arith.select %eq3A_180, %get3A_159, %broadcast_in_dim3A_182 : vector<16xi1>, vector<16xf32>
        %swap3A_184 = arith.index_cast %scan3A_155 : i32 to index
        %swap3A_185 = arith.constant 16 : index
        %swap3A_186 = tpu.vector_load %arg14[%swap3A_184, %swap3A_185] {strides = array<i32>} : memref<80x128xf32, #tpu.memory_space<vmem>>, vector<1x16xf32>,
        %swap3A_187 = vector.shape_cast %swap3A_186 : vector<1x16xf32> to vector<16xf32>
        %swap3A_188 = vector.shape_cast %select_n3A_183 : vector<16xf32> to vector<1x16xf32>
        tpu.vector_store %arg14[%swap3A_184, %swap3A_185], %swap3A_188 {strides = array<i32>} : memref<80x128xf32, #tpu.memory_space<vmem>>, vector<1x16xf32>,
        %add3A_189 = arith.constant 32 : i32
        %add3A_190 = vector.broadcast %add3A_189 : i32 to vector<16xi32>
        %add3A_191 = arith.addi %iota3A, %add3A_190 : vector<16xi32>
        %eq3A_192 = arith.cmpi eq, %add3A_191, %and3A_165 : vector<16xi32>
        %broadcast_in_dim3A_193 = arith.constant 0.000000e+00 : f32
        %broadcast_in_dim3A_194 = vector.broadcast %broadcast_in_dim3A_193 : f32 to vector<16xf32>
        %select_n3A_195 = arith.select %eq3A_192, %get3A_159, %broadcast_in_dim3A_194 : vector<16xi1>, vector<16xf32>
        %swap3A_196 = arith.index_cast %scan3A_155 : i32 to index
        %swap3A_197 = arith.constant 32 : index
        %swap3A_198 = tpu.vector_load %arg14[%swap3A_196, %swap3A_197] {strides = array<i32>} : memref<80x128xf32, #tpu.memory_space<vmem>>, vector<1x16xf32>,
        %swap3A_199 = vector.shape_cast %swap3A_198 : vector<1x16xf32> to vector<16xf32>
        %swap3A_200 = vector.shape_cast %select_n3A_195 : vector<16xf32> to vector<1x16xf32>
        tpu.vector_store %arg14[%swap3A_196, %swap3A_197], %swap3A_200 {strides = array<i32>} : memref<80x128xf32, #tpu.memory_space<vmem>>, vector<1x16xf32>,
        %add3A_201 = arith.constant 48 : i32
        %add3A_202 = vector.broadcast %add3A_201 : i32 to vector<16xi32>
        %add3A_203 = arith.addi %iota3A, %add3A_202 : vector<16xi32>
        %eq3A_204 = arith.cmpi eq, %add3A_203, %and3A_165 : vector<16xi32>
        %broadcast_in_dim3A_205 = arith.constant 0.000000e+00 : f32
        %broadcast_in_dim3A_206 = vector.broadcast %broadcast_in_dim3A_205 : f32 to vector<16xf32>
        %select_n3A_207 = arith.select %eq3A_204, %get3A_159, %broadcast_in_dim3A_206 : vector<16xi1>, vector<16xf32>
        %swap3A_208 = arith.index_cast %scan3A_155 : i32 to index
        %swap3A_209 = arith.constant 48 : index
        %swap3A_210 = tpu.vector_load %arg14[%swap3A_208, %swap3A_209] {strides = array<i32>} : memref<80x128xf32, #tpu.memory_space<vmem>>, vector<1x16xf32>,
        %swap3A_211 = vector.shape_cast %swap3A_210 : vector<1x16xf32> to vector<16xf32>
        %swap3A_212 = vector.shape_cast %select_n3A_207 : vector<16xf32> to vector<1x16xf32>
        tpu.vector_store %arg14[%swap3A_208, %swap3A_209], %swap3A_212 {strides = array<i32>} : memref<80x128xf32, #tpu.memory_space<vmem>>, vector<1x16xf32>,
        %add3A_213 = arith.constant 64 : i32
        %add3A_214 = vector.broadcast %add3A_213 : i32 to vector<16xi32>
        %add3A_215 = arith.addi %iota3A, %add3A_214 : vector<16xi32>
        %eq3A_216 = arith.cmpi eq, %add3A_215, %and3A_165 : vector<16xi32>
        %broadcast_in_dim3A_217 = arith.constant 0.000000e+00 : f32
        %broadcast_in_dim3A_218 = vector.broadcast %broadcast_in_dim3A_217 : f32 to vector<16xf32>
        %select_n3A_219 = arith.select %eq3A_216, %get3A_159, %broadcast_in_dim3A_218 : vector<16xi1>, vector<16xf32>
        %swap3A_220 = arith.index_cast %scan3A_155 : i32 to index
        %swap3A_221 = arith.constant 64 : index
        %swap3A_222 = tpu.vector_load %arg14[%swap3A_220, %swap3A_221] {strides = array<i32>} : memref<80x128xf32, #tpu.memory_space<vmem>>, vector<1x16xf32>,
        %swap3A_223 = vector.shape_cast %swap3A_222 : vector<1x16xf32> to vector<16xf32>
        %swap3A_224 = vector.shape_cast %select_n3A_219 : vector<16xf32> to vector<1x16xf32>
        tpu.vector_store %arg14[%swap3A_220, %swap3A_221], %swap3A_224 {strides = array<i32>} : memref<80x128xf32, #tpu.memory_space<vmem>>, vector<1x16xf32>,
        %add3A_225 = arith.constant 80 : i32
        %add3A_226 = vector.broadcast %add3A_225 : i32 to vector<16xi32>
        %add3A_227 = arith.addi %iota3A, %add3A_226 : vector<16xi32>
        %eq3A_228 = arith.cmpi eq, %add3A_227, %and3A_165 : vector<16xi32>
        %broadcast_in_dim3A_229 = arith.constant 0.000000e+00 : f32
        %broadcast_in_dim3A_230 = vector.broadcast %broadcast_in_dim3A_229 : f32 to vector<16xf32>
        %select_n3A_231 = arith.select %eq3A_228, %get3A_159, %broadcast_in_dim3A_230 : vector<16xi1>, vector<16xf32>
        %swap3A_232 = arith.index_cast %scan3A_155 : i32 to index
        %swap3A_233 = arith.constant 80 : index
        %swap3A_234 = tpu.vector_load %arg14[%swap3A_232, %swap3A_233] {strides = array<i32>} : memref<80x128xf32, #tpu.memory_space<vmem>>, vector<1x16xf32>,
        %swap3A_235 = vector.shape_cast %swap3A_234 : vector<1x16xf32> to vector<16xf32>
        %swap3A_236 = vector.shape_cast %select_n3A_231 : vector<16xf32> to vector<1x16xf32>
        tpu.vector_store %arg14[%swap3A_232, %swap3A_233], %swap3A_236 {strides = array<i32>} : memref<80x128xf32, #tpu.memory_space<vmem>>, vector<1x16xf32>,
        %add3A_237 = arith.constant 96 : i32
        %add3A_238 = vector.broadcast %add3A_237 : i32 to vector<16xi32>
        %add3A_239 = arith.addi %iota3A, %add3A_238 : vector<16xi32>
        %eq3A_240 = arith.cmpi eq, %add3A_239, %and3A_165 : vector<16xi32>
        %broadcast_in_dim3A_241 = arith.constant 0.000000e+00 : f32
        %broadcast_in_dim3A_242 = vector.broadcast %broadcast_in_dim3A_241 : f32 to vector<16xf32>
        %select_n3A_243 = arith.select %eq3A_240, %get3A_159, %broadcast_in_dim3A_242 : vector<16xi1>, vector<16xf32>
        %swap3A_244 = arith.index_cast %scan3A_155 : i32 to index
        %swap3A_245 = arith.constant 96 : index
        %swap3A_246 = tpu.vector_load %arg14[%swap3A_244, %swap3A_245] {strides = array<i32>} : memref<80x128xf32, #tpu.memory_space<vmem>>, vector<1x16xf32>,
        %swap3A_247 = vector.shape_cast %swap3A_246 : vector<1x16xf32> to vector<16xf32>
        %swap3A_248 = vector.shape_cast %select_n3A_243 : vector<16xf32> to vector<1x16xf32>
        tpu.vector_store %arg14[%swap3A_244, %swap3A_245], %swap3A_248 {strides = array<i32>} : memref<80x128xf32, #tpu.memory_space<vmem>>, vector<1x16xf32>,
        %add3A_249 = arith.constant 112 : i32
        %add3A_250 = vector.broadcast %add3A_249 : i32 to vector<16xi32>
        %add3A_251 = arith.addi %iota3A, %add3A_250 : vector<16xi32>
        %eq3A_252 = arith.cmpi eq, %add3A_251, %and3A_165 : vector<16xi32>
        %broadcast_in_dim3A_253 = arith.constant 0.000000e+00 : f32
        %broadcast_in_dim3A_254 = vector.broadcast %broadcast_in_dim3A_253 : f32 to vector<16xf32>
        %select_n3A_255 = arith.select %eq3A_252, %get3A_159, %broadcast_in_dim3A_254 : vector<16xi1>, vector<16xf32>
        %swap3A_256 = arith.index_cast %scan3A_155 : i32 to index
        %swap3A_257 = arith.constant 112 : index
        %swap3A_258 = tpu.vector_load %arg14[%swap3A_256, %swap3A_257] {strides = array<i32>} : memref<80x128xf32, #tpu.memory_space<vmem>>, vector<1x16xf32>,
        %swap3A_259 = vector.shape_cast %swap3A_258 : vector<1x16xf32> to vector<16xf32>
        %swap3A_260 = vector.shape_cast %select_n3A_255 : vector<16xf32> to vector<1x16xf32>
        tpu.vector_store %arg14[%swap3A_256, %swap3A_257], %swap3A_260 {strides = array<i32>} : memref<80x128xf32, #tpu.memory_space<vmem>>, vector<1x16xf32>,
      }
      %scan3A_145 = arith.constant 80 : i32
      %dma_start3A_146 = arith.constant 0 : i32
      %dma_start3A_147 = arith.constant 0 : i32
      %dma_start3A_148 = tpu.memref_slice %arg19[%dma_start3A_146, %dma_start3A_147] : memref<80x128xf32, #tpu.memory_space<vmem_shared>> -> memref<80x128xf32, #tpu.memory_space<vmem_shared>>
      tpu.enqueue_indirect_dma source(%arg14 : memref<80x128xf32, #tpu.memory_space<vmem>>) target(%dma_start3A_148 : memref<80x128xf32, #tpu.memory_space<vmem_shared>>) offsets(%arg13 : memref<80xi32, #tpu.memory_space<vmem>>) semaphore(%arg20 : memref<!tpu.dma_semaphore, #tpu.memory_space<semaphore_mem>>) {add = true}
      %dma_wait3A_149 = arith.constant 0 : i32
      %dma_wait3A_150 = arith.constant 0 : i32
      %dma_wait3A_151 = tpu.memref_slice %arg18[%dma_wait3A_149, %dma_wait3A_150] : memref<10000x128xf32, #tpu.memory_space<vmem_shared>> -> memref<10000x128xf32, #tpu.memory_space<vmem_shared>>
      tpu.wait_indirect_dma semaphore(%arg20 : memref<!tpu.dma_semaphore, #tpu.memory_space<semaphore_mem>>) src(%arg17 : memref<80x128xf32, #tpu.memory_space<vmem>>) dst(%dma_wait3A_151 : memref<10000x128xf32, #tpu.memory_space<vmem_shared>>)
      %dma_wait3A_152 = arith.constant 0 : i32
      %dma_wait3A_153 = arith.constant 0 : i32
      %dma_wait3A_154 = tpu.memref_slice %arg19[%dma_wait3A_152, %dma_wait3A_153] : memref<80x128xf32, #tpu.memory_space<vmem_shared>> -> memref<80x128xf32, #tpu.memory_space<vmem_shared>>
      tpu.wait_indirect_dma semaphore(%arg20 : memref<!tpu.dma_semaphore, #tpu.memory_space<semaphore_mem>>) src(%arg14 : memref<80x128xf32, #tpu.memory_space<vmem>>) dst(%dma_wait3A_154 : memref<80x128xf32, #tpu.memory_space<vmem_shared>>)
    }
    %scan3A_26 = arith.constant 125 : i32
    %barrier3A_27 = arith.constant 0 : index
    tpu.barrier barrier_id(%barrier3A_27)
    %lt3A_28 = arith.constant 15 : i32
    %lt3A_29 = arith.cmpi slt, %arg1, %lt3A_28 : i32
    %convert_element_type3A_30 = arith.extui %lt3A_29 : i1 to i32
    %cond3A_31 = arith.constant 0 : i32
    %cond3A_32 = arith.cmpi ne, %convert_element_type3A_30, %cond3A_31 : i32
    scf.if %cond3A_32 {
      "tpu.region"() ({
        %run_scoped3A = tpu.sem_alloc : memref<!tpu.dma_semaphore, #tpu.memory_space<semaphore_mem>>
        %dma_start3A = arith.constant 0 : i32
        %dma_start3A_43 = tpu.memref_slice %arg8[%arg0, %mul3A_2, %dma_start3A] : memref<2x10000x128xf32, #tpu.memory_space<hbm>> -> memref<1x632x128xf32, #tpu.memory_space<hbm>>
        %dma_start3A_44 = tpu.memref_squeeze %dma_start3A_43 : memref<1x632x128xf32, #tpu.memory_space<hbm>> -> memref<632x128xf32, #tpu.memory_space<hbm>>
        %dma_start3A_45 = arith.constant 0 : i32
        %dma_start3A_46 = tpu.memref_slice %arg18[%mul3A_2, %dma_start3A_45] : memref<10000x128xf32, #tpu.memory_space<vmem_shared>> -> memref<632x128xf32, #tpu.memory_space<vmem_shared>>
        tpu.enqueue_dma source(%dma_start3A_46 : memref<632x128xf32, #tpu.memory_space<vmem_shared>>) target(%dma_start3A_44 : memref<632x128xf32, #tpu.memory_space<hbm>>) target_semaphore(%run_scoped3A : memref<!tpu.dma_semaphore, #tpu.memory_space<semaphore_mem>>)
        %dma_wait3A = arith.constant 0 : i32
        %dma_wait3A_47 = tpu.memref_slice %arg8[%arg0, %mul3A_2, %dma_wait3A] : memref<2x10000x128xf32, #tpu.memory_space<hbm>> -> memref<1x632x128xf32, #tpu.memory_space<hbm>>
        %dma_wait3A_48 = tpu.memref_squeeze %dma_wait3A_47 : memref<1x632x128xf32, #tpu.memory_space<hbm>> -> memref<632x128xf32, #tpu.memory_space<hbm>>
        %dma_wait3A_49 = arith.constant 0 : i32
        %dma_wait3A_50 = tpu.memref_slice %arg18[%mul3A_2, %dma_wait3A_49] : memref<10000x128xf32, #tpu.memory_space<vmem_shared>> -> memref<632x128xf32, #tpu.memory_space<vmem_shared>>
        tpu.wait_dma2 semaphore(%run_scoped3A : memref<!tpu.dma_semaphore, #tpu.memory_space<semaphore_mem>>) src(%dma_wait3A_50 : memref<632x128xf32, #tpu.memory_space<vmem_shared>>) dst(%dma_wait3A_48 : memref<632x128xf32, #tpu.memory_space<hbm>>)
        tpu.yield
      }) : () -> ()
    } else {
    }
    %eq3A_33 = arith.constant 15 : i32
    %eq3A_34 = arith.cmpi eq, %arg1, %eq3A_33 : i32
    %convert_element_type3A_35 = arith.extui %eq3A_34 : i1 to i32
    %cond3A_36 = arith.constant 0 : i32
    %cond3A_37 = arith.cmpi ne, %convert_element_type3A_35, %cond3A_36 : i32
    scf.if %cond3A_37 {
      "tpu.region"() ({
        %run_scoped3A = tpu.sem_alloc : memref<!tpu.dma_semaphore, #tpu.memory_space<semaphore_mem>>
        %dma_start3A = arith.constant 9480 : i32
        %dma_start3A_43 = arith.constant 0 : i32
        %dma_start3A_44 = tpu.memref_slice %arg8[%arg0, %dma_start3A, %dma_start3A_43] : memref<2x10000x128xf32, #tpu.memory_space<hbm>> -> memref<1x520x128xf32, #tpu.memory_space<hbm>>
        %dma_start3A_45 = tpu.memref_squeeze %dma_start3A_44 : memref<1x520x128xf32, #tpu.memory_space<hbm>> -> memref<520x128xf32, #tpu.memory_space<hbm>>
        %dma_start3A_46 = arith.constant 9480 : i32
        %dma_start3A_47 = arith.constant 0 : i32
        %dma_start3A_48 = tpu.memref_slice %arg18[%dma_start3A_46, %dma_start3A_47] : memref<10000x128xf32, #tpu.memory_space<vmem_shared>> -> memref<520x128xf32, #tpu.memory_space<vmem_shared>>
        tpu.enqueue_dma source(%dma_start3A_48 : memref<520x128xf32, #tpu.memory_space<vmem_shared>>) target(%dma_start3A_45 : memref<520x128xf32, #tpu.memory_space<hbm>>) target_semaphore(%run_scoped3A : memref<!tpu.dma_semaphore, #tpu.memory_space<semaphore_mem>>)
        %dma_wait3A = arith.constant 9480 : i32
        %dma_wait3A_49 = arith.constant 0 : i32
        %dma_wait3A_50 = tpu.memref_slice %arg8[%arg0, %dma_wait3A, %dma_wait3A_49] : memref<2x10000x128xf32, #tpu.memory_space<hbm>> -> memref<1x520x128xf32, #tpu.memory_space<hbm>>
        %dma_wait3A_51 = tpu.memref_squeeze %dma_wait3A_50 : memref<1x520x128xf32, #tpu.memory_space<hbm>> -> memref<520x128xf32, #tpu.memory_space<hbm>>
        %dma_wait3A_52 = arith.constant 9480 : i32
        %dma_wait3A_53 = arith.constant 0 : i32
        %dma_wait3A_54 = tpu.memref_slice %arg18[%dma_wait3A_52, %dma_wait3A_53] : memref<10000x128xf32, #tpu.memory_space<vmem_shared>> -> memref<520x128xf32, #tpu.memory_space<vmem_shared>>
        tpu.wait_dma2 semaphore(%run_scoped3A : memref<!tpu.dma_semaphore, #tpu.memory_space<semaphore_mem>>) src(%dma_wait3A_54 : memref<520x128xf32, #tpu.memory_space<vmem_shared>>) dst(%dma_wait3A_51 : memref<520x128xf32, #tpu.memory_space<hbm>>)
        tpu.yield
      }) : () -> ()
    } else {
    }
    %eq3A_38 = arith.constant 0 : i32
    %eq3A_39 = arith.cmpi eq, %arg1, %eq3A_38 : i32
    %convert_element_type3A_40 = arith.extui %eq3A_39 : i1 to i32
    %cond3A_41 = arith.constant 0 : i32
    %cond3A_42 = arith.cmpi ne, %convert_element_type3A_40, %cond3A_41 : i32
    scf.if %cond3A_42 {
      "tpu.region"() ({
        %run_scoped3A = tpu.sem_alloc : memref<!tpu.dma_semaphore, #tpu.memory_space<semaphore_mem>>
        %dma_start3A = arith.constant 0 : i32
        %dma_start3A_43 = arith.constant 0 : i32
        %dma_start3A_44 = tpu.memref_slice %arg9[%arg0, %dma_start3A, %dma_start3A_43] : memref<2x80x128xf32, #tpu.memory_space<hbm>> -> memref<1x80x128xf32, #tpu.memory_space<hbm>>
        %dma_start3A_45 = tpu.memref_squeeze %dma_start3A_44 : memref<1x80x128xf32, #tpu.memory_space<hbm>> -> memref<80x128xf32, #tpu.memory_space<hbm>>
        tpu.enqueue_dma source(%arg19 : memref<80x128xf32, #tpu.memory_space<vmem_shared>>) target(%dma_start3A_45 : memref<80x128xf32, #tpu.memory_space<hbm>>) target_semaphore(%run_scoped3A : memref<!tpu.dma_semaphore, #tpu.memory_space<semaphore_mem>>)
        %dma_wait3A = arith.constant 0 : i32
        %dma_wait3A_46 = arith.constant 0 : i32
        %dma_wait3A_47 = tpu.memref_slice %arg9[%arg0, %dma_wait3A, %dma_wait3A_46] : memref<2x80x128xf32, #tpu.memory_space<hbm>> -> memref<1x80x128xf32, #tpu.memory_space<hbm>>
        %dma_wait3A_48 = tpu.memref_squeeze %dma_wait3A_47 : memref<1x80x128xf32, #tpu.memory_space<hbm>> -> memref<80x128xf32, #tpu.memory_space<hbm>>
        tpu.wait_dma2 semaphore(%run_scoped3A : memref<!tpu.dma_semaphore, #tpu.memory_space<semaphore_mem>>) src(%arg19 : memref<80x128xf32, #tpu.memory_space<vmem_shared>>) dst(%dma_wait3A_48 : memref<80x128xf32, #tpu.memory_space<hbm>>)
        tpu.yield
      }) : () -> ()
    } else {
    }
    return
  }
}

module attributes {stable_mosaic.version = 14 : i64} {
  func.func @body(%arg0: i32, %arg1: memref<2000x128xf32, #tpu.memory_space<vmem>>, %arg2: memref<128x128xf32, #tpu.memory_space<vmem>>, %arg3: memref<1x128xf32, #tpu.memory_space<vmem>>, %arg4: memref<2000x128xf32, #tpu.memory_space<vmem>>) attributes {dimension_semantics = [#tpu.dimension_semantics<arbitrary>], iteration_bounds = array<i64: 5>, scalar_prefetch = 0 : i64, scratch_operands = 0 : i64, tpu.core_type = #tpu.core_type<tc>, window_params = [{transform_indices = @transform_0, window_bounds = array<i64: 2000, 128>}, {pipeline_mode = #tpu.pipeline_mode<synchronous>, transform_indices = @transform_1, window_bounds = array<i64: 128, 128>}, {pipeline_mode = #tpu.pipeline_mode<synchronous>, transform_indices = @transform_2, window_bounds = array<i64: 1, 128>}, {transform_indices = @transform_3, window_bounds = array<i64: 2000, 128>}]} {
    %get3A = arith.constant 0 : index
    %get3A_0 = arith.constant 0 : index
    %get3A_1 = vector.load %arg1[%get3A, %get3A_0] : memref<2000x128xf32, #tpu.memory_space<vmem>>, vector<2000x128xf32>
    %get3A_2 = arith.constant 0 : index
    %get3A_3 = arith.constant 0 : index
    %get3A_4 = vector.load %arg2[%get3A_2, %get3A_3] : memref<128x128xf32, #tpu.memory_space<vmem>>, vector<128x128xf32>
    %dot_general3A = arith.constant dense<0.000000e+00> : vector<2000x128xf32>
    %dot_general3A_5 = tpu.matmul %get3A_1, %get3A_4, %dot_general3A {dimension_numbers = #tpu.dot_dimension_numbers<[1], [0], [0], [1], [0, 0, 1, 1], [], []>, transpose_lhs_hint = false} : vector<2000x128xf32>, vector<128x128xf32>, vector<2000x128xf32> -> vector<2000x128xf32>
    %get3A_6 = arith.constant 0 : index
    %get3A_7 = arith.constant 0 : index
    %get3A_8 = vector.load %arg3[%get3A_6, %get3A_7] : memref<1x128xf32, #tpu.memory_space<vmem>>, vector<1x128xf32>
    %add3A = vector.broadcast %get3A_8 : vector<1x128xf32> to vector<2000x128xf32>
    %add3A_9 = arith.addf %dot_general3A_5, %add3A : vector<2000x128xf32>
    %swap3A = arith.constant 0 : index
    %swap3A_10 = arith.constant 0 : index
    %swap3A_11 = vector.load %arg4[%swap3A, %swap3A_10] : memref<2000x128xf32, #tpu.memory_space<vmem>>, vector<2000x128xf32>
    tpu.vector_store %arg4[%swap3A, %swap3A_10], %add3A_9 {strides = array<i32>} : memref<2000x128xf32, #tpu.memory_space<vmem>>, vector<2000x128xf32>,
    return
  }
  func.func @transform_0(%arg0: i32) -> (i32, i32) {
    %c0_i32 = arith.constant 0 : i32
    %c0_i32_0 = arith.constant 0 : i32
    return %arg0, %c0_i32 : i32, i32
  }
  func.func @transform_1(%arg0: i32) -> (i32, i32) {
    %c0_i32 = arith.constant 0 : i32
    %c0_i32_0 = arith.constant 0 : i32
    %c0_i32_1 = arith.constant 0 : i32
    return %c0_i32, %c0_i32_0 : i32, i32
  }
  func.func @transform_2(%arg0: i32) -> (i32, i32) {
    %c0_i32 = arith.constant 0 : i32
    %c0_i32_0 = arith.constant 0 : i32
    %c0_i32_1 = arith.constant 0 : i32
    return %c0_i32, %c0_i32_0 : i32, i32
  }
  func.func @transform_3(%arg0: i32) -> (i32, i32) {
    %c0_i32 = arith.constant 0 : i32
    %c0_i32_0 = arith.constant 0 : i32
    return %arg0, %c0_i32 : i32, i32
  }
}

module attributes {stable_mosaic.version = 14 : i64} {
  func.func @body(%arg0: i32, %arg1: memref<2000x1xi32, #tpu.memory_space<vmem>>, %arg2: memref<2000x1xi32, #tpu.memory_space<vmem>>, %arg3: memref<512x512xf32, #tpu.memory_space<vmem>>) attributes {dimension_semantics = [#tpu.dimension_semantics<arbitrary>], iteration_bounds = array<i64: 5>, scalar_prefetch = 0 : i64, scratch_operands = 0 : i64, tpu.core_type = #tpu.core_type<tc>, window_params = [{transform_indices = @transform_0, window_bounds = array<i64: 2000, 1>}, {transform_indices = @transform_1, window_bounds = array<i64: 2000, 1>}, {pipeline_mode = #tpu.pipeline_mode<synchronous>, transform_indices = @transform_2, window_bounds = array<i64: 512, 512>}]} {
    %iota3A = tpu.iota {dimensions = array<i32: 1>} : vector<1x512xi32>
    %get3A = arith.constant 0 : index
    %get3A_0 = arith.constant 0 : index
    %get3A_1 = vector.load %arg1[%get3A, %get3A_0] : memref<2000x1xi32, #tpu.memory_space<vmem>>, vector<2000x1xi32>
    %eq3A = vector.broadcast %get3A_1 : vector<2000x1xi32> to vector<2000x512xi32>
    %eq3A_2 = vector.broadcast %iota3A : vector<1x512xi32> to vector<2000x512xi32>
    %eq3A_3 = arith.cmpi eq, %eq3A, %eq3A_2 : vector<2000x512xi32>
    %convert_element_type3A = arith.extui %eq3A_3 : vector<2000x512xi1> to vector<2000x512xi32>
    %convert_element_type3A_4 = arith.sitofp %convert_element_type3A : vector<2000x512xi32> to vector<2000x512xf32>
    %get3A_5 = arith.constant 0 : index
    %get3A_6 = arith.constant 0 : index
    %get3A_7 = vector.load %arg2[%get3A_5, %get3A_6] : memref<2000x1xi32, #tpu.memory_space<vmem>>, vector<2000x1xi32>
    %eq3A_8 = vector.broadcast %get3A_7 : vector<2000x1xi32> to vector<2000x512xi32>
    %eq3A_9 = vector.broadcast %iota3A : vector<1x512xi32> to vector<2000x512xi32>
    %eq3A_10 = arith.cmpi eq, %eq3A_8, %eq3A_9 : vector<2000x512xi32>
    %convert_element_type3A_11 = arith.extui %eq3A_10 : vector<2000x512xi1> to vector<2000x512xi32>
    %convert_element_type3A_12 = arith.sitofp %convert_element_type3A_11 : vector<2000x512xi32> to vector<2000x512xf32>
    %dot_general3A = arith.constant dense<0.000000e+00> : vector<512x512xf32>
    %dot_general3A_13 = tpu.matmul %convert_element_type3A_4, %convert_element_type3A_12, %dot_general3A {dimension_numbers = #tpu.dot_dimension_numbers<[0], [0], [1], [1], [0, 1, 1, 1], [], []>, transpose_lhs_hint = false} : vector<2000x512xf32>, vector<2000x512xf32>, vector<512x512xf32> -> vector<512x512xf32>
    %eq3A_14 = arith.constant 0 : i32
    %eq3A_15 = arith.cmpi eq, %arg0, %eq3A_14 : i32
    %convert_element_type3A_16 = arith.extui %eq3A_15 : i1 to i32
    %cond3A = arith.constant 0 : i32
    %cond3A_17 = arith.cmpi ne, %convert_element_type3A_16, %cond3A : i32
    scf.if %cond3A_17 {
      %swap3A = arith.constant 0 : index
      %swap3A_22 = arith.constant 0 : index
      %swap3A_23 = vector.load %arg3[%swap3A, %swap3A_22] : memref<512x512xf32, #tpu.memory_space<vmem>>, vector<512x512xf32>
      tpu.vector_store %arg3[%swap3A, %swap3A_22], %dot_general3A_13 {strides = array<i32>} : memref<512x512xf32, #tpu.memory_space<vmem>>, vector<512x512xf32>,
    } else {
    }
    %gt3A = arith.constant 0 : i32
    %gt3A_18 = arith.cmpi sgt, %arg0, %gt3A : i32
    %convert_element_type3A_19 = arith.extui %gt3A_18 : i1 to i32
    %cond3A_20 = arith.constant 0 : i32
    %cond3A_21 = arith.cmpi ne, %convert_element_type3A_19, %cond3A_20 : i32
    scf.if %cond3A_21 {
      %get3A_22 = arith.constant 0 : index
      %get3A_23 = arith.constant 0 : index
      %get3A_24 = vector.load %arg3[%get3A_22, %get3A_23] : memref<512x512xf32, #tpu.memory_space<vmem>>, vector<512x512xf32>
      %add3A = arith.addf %get3A_24, %dot_general3A_13 : vector<512x512xf32>
      %swap3A = arith.constant 0 : index
      %swap3A_25 = arith.constant 0 : index
      %swap3A_26 = vector.load %arg3[%swap3A, %swap3A_25] : memref<512x512xf32, #tpu.memory_space<vmem>>, vector<512x512xf32>
      tpu.vector_store %arg3[%swap3A, %swap3A_25], %add3A {strides = array<i32>} : memref<512x512xf32, #tpu.memory_space<vmem>>, vector<512x512xf32>,
    } else {
    }
    return
  }
  func.func @transform_0(%arg0: i32) -> (i32, i32) {
    %c0_i32 = arith.constant 0 : i32
    %c0_i32_0 = arith.constant 0 : i32
    return %arg0, %c0_i32 : i32, i32
  }
  func.func @transform_1(%arg0: i32) -> (i32, i32) {
    %c0_i32 = arith.constant 0 : i32
    %c0_i32_0 = arith.constant 0 : i32
    return %arg0, %c0_i32 : i32, i32
  }
  func.func @transform_2(%arg0: i32) -> (i32, i32) {
    %c0_i32 = arith.constant 0 : i32
    %c0_i32_0 = arith.constant 0 : i32
    %c0_i32_1 = arith.constant 0 : i32
    return %c0_i32, %c0_i32_0 : i32, i32
  }
}

module attributes {stable_mosaic.version = 14 : i64} {
  func.func @body(%arg0: i32, %arg1: memref<2048x1xi32, #tpu.memory_space<vmem>>, %arg2: memref<2048x1xi32, #tpu.memory_space<vmem>>, %arg3: memref<512x512xf32, #tpu.memory_space<vmem>>) attributes {dimension_semantics = [#tpu.dimension_semantics<arbitrary>], iteration_bounds = array<i64: 2>, scalar_prefetch = 0 : i64, scratch_operands = 0 : i64, tpu.core_type = #tpu.core_type<tc>, window_params = [{transform_indices = @transform_0, window_bounds = array<i64: 2048, 1>}, {transform_indices = @transform_1, window_bounds = array<i64: 2048, 1>}, {pipeline_mode = #tpu.pipeline_mode<synchronous>, transform_indices = @transform_2, window_bounds = array<i64: 512, 512>}]} {
    %iota3A = tpu.iota {dimensions = array<i32: 1>} : vector<1x512xi32>
    %get3A = arith.constant 0 : index
    %get3A_0 = arith.constant 0 : index
    %get3A_1 = vector.load %arg1[%get3A, %get3A_0] : memref<2048x1xi32, #tpu.memory_space<vmem>>, vector<2048x1xi32>
    %eq3A = vector.broadcast %get3A_1 : vector<2048x1xi32> to vector<2048x512xi32>
    %eq3A_2 = vector.broadcast %iota3A : vector<1x512xi32> to vector<2048x512xi32>
    %eq3A_3 = arith.cmpi eq, %eq3A, %eq3A_2 : vector<2048x512xi32>
    %convert_element_type3A = arith.extui %eq3A_3 : vector<2048x512xi1> to vector<2048x512xi32>
    %convert_element_type3A_4 = arith.sitofp %convert_element_type3A : vector<2048x512xi32> to vector<2048x512xf32>
    %get3A_5 = arith.constant 0 : index
    %get3A_6 = arith.constant 0 : index
    %get3A_7 = vector.load %arg2[%get3A_5, %get3A_6] : memref<2048x1xi32, #tpu.memory_space<vmem>>, vector<2048x1xi32>
    %eq3A_8 = vector.broadcast %get3A_7 : vector<2048x1xi32> to vector<2048x512xi32>
    %eq3A_9 = vector.broadcast %iota3A : vector<1x512xi32> to vector<2048x512xi32>
    %eq3A_10 = arith.cmpi eq, %eq3A_8, %eq3A_9 : vector<2048x512xi32>
    %convert_element_type3A_11 = arith.extui %eq3A_10 : vector<2048x512xi1> to vector<2048x512xi32>
    %convert_element_type3A_12 = arith.sitofp %convert_element_type3A_11 : vector<2048x512xi32> to vector<2048x512xf32>
    %dot_general3A = arith.constant dense<0.000000e+00> : vector<512x512xf32>
    %dot_general3A_13 = tpu.matmul %convert_element_type3A_4, %convert_element_type3A_12, %dot_general3A {dimension_numbers = #tpu.dot_dimension_numbers<[0], [0], [1], [1], [0, 1, 1, 1], [], []>, transpose_lhs_hint = false} : vector<2048x512xf32>, vector<2048x512xf32>, vector<512x512xf32> -> vector<512x512xf32>
    %eq3A_14 = arith.constant 0 : i32
    %eq3A_15 = arith.cmpi eq, %arg0, %eq3A_14 : i32
    %convert_element_type3A_16 = arith.extui %eq3A_15 : i1 to i32
    %cond3A = arith.constant 0 : i32
    %cond3A_17 = arith.cmpi ne, %convert_element_type3A_16, %cond3A : i32
    scf.if %cond3A_17 {
      %swap3A = arith.constant 0 : index
      %swap3A_22 = arith.constant 0 : index
      %swap3A_23 = vector.load %arg3[%swap3A, %swap3A_22] : memref<512x512xf32, #tpu.memory_space<vmem>>, vector<512x512xf32>
      tpu.vector_store %arg3[%swap3A, %swap3A_22], %dot_general3A_13 {strides = array<i32>} : memref<512x512xf32, #tpu.memory_space<vmem>>, vector<512x512xf32>,
    } else {
    }
    %gt3A = arith.constant 0 : i32
    %gt3A_18 = arith.cmpi sgt, %arg0, %gt3A : i32
    %convert_element_type3A_19 = arith.extui %gt3A_18 : i1 to i32
    %cond3A_20 = arith.constant 0 : i32
    %cond3A_21 = arith.cmpi ne, %convert_element_type3A_19, %cond3A_20 : i32
    scf.if %cond3A_21 {
      %get3A_22 = arith.constant 0 : index
      %get3A_23 = arith.constant 0 : index
      %get3A_24 = vector.load %arg3[%get3A_22, %get3A_23] : memref<512x512xf32, #tpu.memory_space<vmem>>, vector<512x512xf32>
      %add3A = arith.addf %get3A_24, %dot_general3A_13 : vector<512x512xf32>
      %swap3A = arith.constant 0 : index
      %swap3A_25 = arith.constant 0 : index
      %swap3A_26 = vector.load %arg3[%swap3A, %swap3A_25] : memref<512x512xf32, #tpu.memory_space<vmem>>, vector<512x512xf32>
      tpu.vector_store %arg3[%swap3A, %swap3A_25], %add3A {strides = array<i32>} : memref<512x512xf32, #tpu.memory_space<vmem>>, vector<512x512xf32>,
    } else {
    }
    return
  }
  func.func @transform_0(%arg0: i32) -> (i32, i32) {
    %c0_i32 = arith.constant 0 : i32
    %c0_i32_0 = arith.constant 0 : i32
    return %arg0, %c0_i32 : i32, i32
  }
  func.func @transform_1(%arg0: i32) -> (i32, i32) {
    %c0_i32 = arith.constant 0 : i32
    %c0_i32_0 = arith.constant 0 : i32
    return %arg0, %c0_i32 : i32, i32
  }
  func.func @transform_2(%arg0: i32) -> (i32, i32) {
    %c0_i32 = arith.constant 0 : i32
    %c0_i32_0 = arith.constant 0 : i32
    %c0_i32_1 = arith.constant 0 : i32
    return %c0_i32, %c0_i32_0 : i32, i32
  }
}

module attributes {stable_mosaic.version = 14 : i64} {
  func.func @body(%arg0: memref<512x128xf32, #tpu.memory_space<vmem>>, %arg1: memref<512x128xf32, #tpu.memory_space<vmem>>, %arg2: memref<512x512xf32, #tpu.memory_space<vmem>>, %arg3: memref<128x128xf32, #tpu.memory_space<vmem>>, %arg4: memref<1x128xf32, #tpu.memory_space<vmem>>, %arg5: memref<128x128xf32, #tpu.memory_space<vmem>>, %arg6: memref<1x128xf32, #tpu.memory_space<vmem>>, %arg7: memref<128x128xf32, #tpu.memory_space<vmem>>, %arg8: memref<1x128xf32, #tpu.memory_space<vmem>>, %arg9: memref<128x128xf32, #tpu.memory_space<vmem>>, %arg10: memref<1x128xf32, #tpu.memory_space<vmem>>, %arg11: memref<128x128xf32, #tpu.memory_space<vmem>>, %arg12: memref<1x128xf32, #tpu.memory_space<vmem>>, %arg13: memref<512x128xf32, #tpu.memory_space<vmem>>) attributes {dimension_semantics = [], scalar_prefetch = 0 : i64, scratch_operands = 0 : i64, tpu.core_type = #tpu.core_type<tc>} {
    %get3A = arith.constant 0 : index
    %get3A_0 = arith.constant 0 : index
    %get3A_1 = vector.load %arg0[%get3A, %get3A_0] : memref<512x128xf32, #tpu.memory_space<vmem>>, vector<512x128xf32>
    %get3A_2 = arith.constant 0 : index
    %get3A_3 = arith.constant 0 : index
    %get3A_4 = vector.load %arg1[%get3A_2, %get3A_3] : memref<512x128xf32, #tpu.memory_space<vmem>>, vector<512x128xf32>
    %get3A_5 = arith.constant 0 : index
    %get3A_6 = arith.constant 0 : index
    %get3A_7 = vector.load %arg2[%get3A_5, %get3A_6] : memref<512x512xf32, #tpu.memory_space<vmem>>, vector<512x512xf32>
    %get3A_8 = arith.constant 0 : index
    %get3A_9 = arith.constant 0 : index
    %get3A_10 = vector.load %arg3[%get3A_8, %get3A_9] : memref<128x128xf32, #tpu.memory_space<vmem>>, vector<128x128xf32>
    %get3A_11 = arith.constant 0 : index
    %get3A_12 = arith.constant 0 : index
    %get3A_13 = vector.load %arg4[%get3A_11, %get3A_12] : memref<1x128xf32, #tpu.memory_space<vmem>>, vector<1x128xf32>
    %get3A_14 = arith.constant 0 : index
    %get3A_15 = arith.constant 0 : index
    %get3A_16 = vector.load %arg5[%get3A_14, %get3A_15] : memref<128x128xf32, #tpu.memory_space<vmem>>, vector<128x128xf32>
    %get3A_17 = arith.constant 0 : index
    %get3A_18 = arith.constant 0 : index
    %get3A_19 = vector.load %arg6[%get3A_17, %get3A_18] : memref<1x128xf32, #tpu.memory_space<vmem>>, vector<1x128xf32>
    %get3A_20 = arith.constant 0 : index
    %get3A_21 = arith.constant 0 : index
    %get3A_22 = vector.load %arg7[%get3A_20, %get3A_21] : memref<128x128xf32, #tpu.memory_space<vmem>>, vector<128x128xf32>
    %get3A_23 = arith.constant 0 : index
    %get3A_24 = arith.constant 0 : index
    %get3A_25 = vector.load %arg8[%get3A_23, %get3A_24] : memref<1x128xf32, #tpu.memory_space<vmem>>, vector<1x128xf32>
    %dot_general3A = arith.constant dense<0.000000e+00> : vector<512x128xf32>
    %dot_general3A_26 = tpu.matmul %get3A_4, %get3A_10, %dot_general3A {dimension_numbers = #tpu.dot_dimension_numbers<[1], [0], [0], [1], [0, 0, 1, 1], [], []>, transpose_lhs_hint = false} : vector<512x128xf32>, vector<128x128xf32>, vector<512x128xf32> -> vector<512x128xf32>
    %add3A = vector.broadcast %get3A_13 : vector<1x128xf32> to vector<512x128xf32>
    %add3A_27 = arith.addf %dot_general3A_26, %add3A : vector<512x128xf32>
    %dot_general3A_28 = arith.constant dense<0.000000e+00> : vector<512x128xf32>
    %dot_general3A_29 = tpu.matmul %get3A_1, %get3A_16, %dot_general3A_28 {dimension_numbers = #tpu.dot_dimension_numbers<[1], [0], [0], [1], [0, 0, 1, 1], [], []>, transpose_lhs_hint = false} : vector<512x128xf32>, vector<128x128xf32>, vector<512x128xf32> -> vector<512x128xf32>
    %add3A_30 = vector.broadcast %get3A_19 : vector<1x128xf32> to vector<512x128xf32>
    %add3A_31 = arith.addf %dot_general3A_29, %add3A_30 : vector<512x128xf32>
    %dot_general3A_32 = arith.constant dense<0.000000e+00> : vector<512x128xf32>
    %dot_general3A_33 = tpu.matmul %get3A_1, %get3A_22, %dot_general3A_32 {dimension_numbers = #tpu.dot_dimension_numbers<[1], [0], [0], [1], [0, 0, 1, 1], [], []>, transpose_lhs_hint = false} : vector<512x128xf32>, vector<128x128xf32>, vector<512x128xf32> -> vector<512x128xf32>
    %add3A_34 = vector.broadcast %get3A_25 : vector<1x128xf32> to vector<512x128xf32>
    %add3A_35 = arith.addf %dot_general3A_33, %add3A_34 : vector<512x128xf32>
    %dot_general3A_36 = arith.constant dense<0.000000e+00> : vector<512x512xf32>
    %dot_general3A_37 = tpu.matmul %add3A_27, %add3A_31, %dot_general3A_36 {dimension_numbers = #tpu.dot_dimension_numbers<[1], [1], [0], [0], [0, 0, 1, 0], [], []>, transpose_lhs_hint = false} : vector<512x128xf32>, vector<512x128xf32>, vector<512x512xf32> -> vector<512x512xf32>
    %mul3A = arith.constant 0.0883883461 : f32
    %mul3A_38 = vector.broadcast %mul3A : f32 to vector<512x512xf32>
    %mul3A_39 = arith.mulf %dot_general3A_37, %mul3A_38 : vector<512x512xf32>
    %gt3A = arith.constant 0.000000e+00 : f32
    %gt3A_40 = vector.broadcast %gt3A : f32 to vector<512x512xf32>
    %gt3A_41 = arith.cmpf ogt, %get3A_7, %gt3A_40 : vector<512x512xf32>
    %jit3A = arith.constant -1.000000e+30 : f32
    %broadcast_in_dim3A = vector.broadcast %jit3A : f32 to vector<512x512xf32>
    %select_n3A = arith.select %gt3A_41, %mul3A_39, %broadcast_in_dim3A : vector<512x512xi1>, vector<512x512xf32>
    %reduce_max3A = arith.constant dense<0xFF800000> : vector<512xf32>
    %reduce_max3A_42 = vector.multi_reduction <maximumf>, %select_n3A, %reduce_max3A [1] : vector<512x512xf32> to vector<512xf32>
    %broadcast_in_dim3A_43 = vector.shape_cast %reduce_max3A_42 : vector<512xf32> to vector<512x1xf32>
    %gt3A_44 = arith.constant -1.000000e+29 : f32
    %gt3A_45 = vector.broadcast %gt3A_44 : f32 to vector<512x1xf32>
    %gt3A_46 = arith.cmpf ogt, %broadcast_in_dim3A_43, %gt3A_45 : vector<512x1xf32>
    %jit3A_47 = arith.constant 0.000000e+00 : f32
    %broadcast_in_dim3A_48 = vector.broadcast %jit3A_47 : f32 to vector<512x1xf32>
    %select_n3A_49 = arith.select %gt3A_46, %broadcast_in_dim3A_43, %broadcast_in_dim3A_48 : vector<512x1xi1>, vector<512x1xf32>
    %sub3A = vector.broadcast %select_n3A_49 : vector<512x1xf32> to vector<512x512xf32>
    %sub3A_50 = arith.subf %mul3A_39, %sub3A : vector<512x512xf32>
    %exp3A = math.exp %sub3A_50 : vector<512x512xf32>
    %mul3A_51 = arith.mulf %get3A_7, %exp3A : vector<512x512xf32>
    %reduce_sum3A = arith.constant dense<0.000000e+00> : vector<512xf32>
    %reduce_sum3A_52 = vector.multi_reduction <add>, %mul3A_51, %reduce_sum3A [1] : vector<512x512xf32> to vector<512xf32>
    %broadcast_in_dim3A_53 = vector.shape_cast %reduce_sum3A_52 : vector<512xf32> to vector<512x1xf32>
    %add3A_54 = arith.constant 1.000000e-16 : f32
    %add3A_55 = vector.broadcast %add3A_54 : f32 to vector<512x1xf32>
    %add3A_56 = arith.addf %broadcast_in_dim3A_53, %add3A_55 : vector<512x1xf32>
    %div3A = vector.broadcast %add3A_56 : vector<512x1xf32> to vector<512x512xf32>
    %div3A_57 = arith.divf %mul3A_51, %div3A : vector<512x512xf32>
    %dot_general3A_58 = arith.constant dense<0.000000e+00> : vector<512x128xf32>
    %dot_general3A_59 = tpu.matmul %div3A_57, %add3A_35, %dot_general3A_58 {dimension_numbers = #tpu.dot_dimension_numbers<[1], [0], [0], [1], [0, 0, 1, 1], [], []>, transpose_lhs_hint = false} : vector<512x512xf32>, vector<512x128xf32>, vector<512x128xf32> -> vector<512x128xf32>
    %get3A_60 = arith.constant 0 : index
    %get3A_61 = arith.constant 0 : index
    %get3A_62 = vector.load %arg1[%get3A_60, %get3A_61] : memref<512x128xf32, #tpu.memory_space<vmem>>, vector<512x128xf32>
    %get3A_63 = arith.constant 0 : index
    %get3A_64 = arith.constant 0 : index
    %get3A_65 = vector.load %arg9[%get3A_63, %get3A_64] : memref<128x128xf32, #tpu.memory_space<vmem>>, vector<128x128xf32>
    %dot_general3A_66 = arith.constant dense<0.000000e+00> : vector<512x128xf32>
    %dot_general3A_67 = tpu.matmul %get3A_62, %get3A_65, %dot_general3A_66 {dimension_numbers = #tpu.dot_dimension_numbers<[1], [0], [0], [1], [0, 0, 1, 1], [], []>, transpose_lhs_hint = false} : vector<512x128xf32>, vector<128x128xf32>, vector<512x128xf32> -> vector<512x128xf32>
    %add3A_68 = arith.addf %dot_general3A_59, %dot_general3A_67 : vector<512x128xf32>
    %get3A_69 = arith.constant 0 : index
    %get3A_70 = arith.constant 0 : index
    %get3A_71 = vector.load %arg10[%get3A_69, %get3A_70] : memref<1x128xf32, #tpu.memory_space<vmem>>, vector<1x128xf32>
    %add3A_72 = vector.broadcast %get3A_71 : vector<1x128xf32> to vector<512x128xf32>
    %add3A_73 = arith.addf %add3A_68, %add3A_72 : vector<512x128xf32>
    %get3A_74 = arith.constant 0 : index
    %get3A_75 = arith.constant 0 : index
    %get3A_76 = vector.load %arg11[%get3A_74, %get3A_75] : memref<128x128xf32, #tpu.memory_space<vmem>>, vector<128x128xf32>
    %dot_general3A_77 = arith.constant dense<0.000000e+00> : vector<512x128xf32>
    %dot_general3A_78 = tpu.matmul %add3A_73, %get3A_76, %dot_general3A_77 {dimension_numbers = #tpu.dot_dimension_numbers<[1], [0], [0], [1], [0, 0, 1, 1], [], []>, transpose_lhs_hint = false} : vector<512x128xf32>, vector<128x128xf32>, vector<512x128xf32> -> vector<512x128xf32>
    %get3A_79 = arith.constant 0 : index
    %get3A_80 = arith.constant 0 : index
    %get3A_81 = vector.load %arg12[%get3A_79, %get3A_80] : memref<1x128xf32, #tpu.memory_space<vmem>>, vector<1x128xf32>
    %add3A_82 = vector.broadcast %get3A_81 : vector<1x128xf32> to vector<512x128xf32>
    %add3A_83 = arith.addf %dot_general3A_78, %add3A_82 : vector<512x128xf32>
    %swap3A = arith.constant 0 : index
    %swap3A_84 = arith.constant 0 : index
    %swap3A_85 = vector.load %arg13[%swap3A, %swap3A_84] : memref<512x128xf32, #tpu.memory_space<vmem>>, vector<512x128xf32>
    tpu.vector_store %arg13[%swap3A, %swap3A_84], %add3A_83 {strides = array<i32>} : memref<512x128xf32, #tpu.memory_space<vmem>>, vector<512x128xf32>,
    return
  }
}

module attributes {stable_mosaic.version = 14 : i64} {
  func.func @body(%arg0: memref<512x128xf32, #tpu.memory_space<vmem>>, %arg1: memref<512x128xf32, #tpu.memory_space<vmem>>, %arg2: memref<1x128xf32, #tpu.memory_space<vmem>>, %arg3: memref<1x128xf32, #tpu.memory_space<vmem>>, %arg4: memref<512x128xf32, #tpu.memory_space<vmem>>) attributes {dimension_semantics = [], scalar_prefetch = 0 : i64, scratch_operands = 0 : i64, tpu.core_type = #tpu.core_type<tc>} {
    %get3A = arith.constant 0 : index
    %get3A_0 = arith.constant 0 : index
    %get3A_1 = vector.load %arg0[%get3A, %get3A_0] : memref<512x128xf32, #tpu.memory_space<vmem>>, vector<512x128xf32>
    %get3A_2 = arith.constant 0 : index
    %get3A_3 = arith.constant 0 : index
    %get3A_4 = vector.load %arg1[%get3A_2, %get3A_3] : memref<512x128xf32, #tpu.memory_space<vmem>>, vector<512x128xf32>
    %add3A = arith.addf %get3A_1, %get3A_4 : vector<512x128xf32>
    %get3A_5 = arith.constant 0 : index
    %get3A_6 = arith.constant 0 : index
    %get3A_7 = vector.load %arg2[%get3A_5, %get3A_6] : memref<1x128xf32, #tpu.memory_space<vmem>>, vector<1x128xf32>
    %get3A_8 = arith.constant 0 : index
    %get3A_9 = arith.constant 0 : index
    %get3A_10 = vector.load %arg3[%get3A_8, %get3A_9] : memref<1x128xf32, #tpu.memory_space<vmem>>, vector<1x128xf32>
    %reduce_sum3A = arith.constant dense<0.000000e+00> : vector<512xf32>
    %reduce_sum3A_11 = vector.multi_reduction <add>, %add3A, %reduce_sum3A [1] : vector<512x128xf32> to vector<512xf32>
    %broadcast_in_dim3A = vector.shape_cast %reduce_sum3A_11 : vector<512xf32> to vector<512x1xf32>
    %div3A = arith.constant 1.280000e+02 : f32
    %div3A_12 = vector.broadcast %div3A : f32 to vector<512x1xf32>
    %div3A_13 = arith.divf %broadcast_in_dim3A, %div3A_12 : vector<512x1xf32>
    %sub3A = vector.broadcast %div3A_13 : vector<512x1xf32> to vector<512x128xf32>
    %sub3A_14 = arith.subf %add3A, %sub3A : vector<512x128xf32>
    %integer_pow3A = arith.mulf %sub3A_14, %sub3A_14 : vector<512x128xf32>
    %reduce_sum3A_15 = arith.constant dense<0.000000e+00> : vector<512xf32>
    %reduce_sum3A_16 = vector.multi_reduction <add>, %integer_pow3A, %reduce_sum3A_15 [1] : vector<512x128xf32> to vector<512xf32>
    %broadcast_in_dim3A_17 = vector.shape_cast %reduce_sum3A_16 : vector<512xf32> to vector<512x1xf32>
    %div3A_18 = arith.constant 1.280000e+02 : f32
    %div3A_19 = vector.broadcast %div3A_18 : f32 to vector<512x1xf32>
    %div3A_20 = arith.divf %broadcast_in_dim3A_17, %div3A_19 : vector<512x1xf32>
    %sub3A_21 = vector.broadcast %div3A_13 : vector<512x1xf32> to vector<512x128xf32>
    %sub3A_22 = arith.subf %add3A, %sub3A_21 : vector<512x128xf32>
    %add3A_23 = arith.constant 9.99999974E-6 : f32
    %add3A_24 = vector.broadcast %add3A_23 : f32 to vector<512x1xf32>
    %add3A_25 = arith.addf %div3A_20, %add3A_24 : vector<512x1xf32>
    %sqrt3A = math.sqrt %add3A_25 : vector<512x1xf32>
    %div3A_26 = vector.broadcast %sqrt3A : vector<512x1xf32> to vector<512x128xf32>
    %div3A_27 = arith.divf %sub3A_22, %div3A_26 : vector<512x128xf32>
    %mul3A = vector.broadcast %get3A_7 : vector<1x128xf32> to vector<512x128xf32>
    %mul3A_28 = arith.mulf %div3A_27, %mul3A : vector<512x128xf32>
    %add3A_29 = vector.broadcast %get3A_10 : vector<1x128xf32> to vector<512x128xf32>
    %add3A_30 = arith.addf %mul3A_28, %add3A_29 : vector<512x128xf32>
    %swap3A = arith.constant 0 : index
    %swap3A_31 = arith.constant 0 : index
    %swap3A_32 = vector.load %arg4[%swap3A, %swap3A_31] : memref<512x128xf32, #tpu.memory_space<vmem>>, vector<512x128xf32>
    tpu.vector_store %arg4[%swap3A, %swap3A_31], %add3A_30 {strides = array<i32>} : memref<512x128xf32, #tpu.memory_space<vmem>>, vector<512x128xf32>,
    return
  }
}

module attributes {stable_mosaic.version = 14 : i64} {
  func.func @body(%arg0: memref<512x128xf32, #tpu.memory_space<vmem>>, %arg1: memref<512x128xf32, #tpu.memory_space<vmem>>, %arg2: memref<512x512xf32, #tpu.memory_space<vmem>>, %arg3: memref<128x128xf32, #tpu.memory_space<vmem>>, %arg4: memref<1x128xf32, #tpu.memory_space<vmem>>, %arg5: memref<128x128xf32, #tpu.memory_space<vmem>>, %arg6: memref<1x128xf32, #tpu.memory_space<vmem>>, %arg7: memref<128x128xf32, #tpu.memory_space<vmem>>, %arg8: memref<1x128xf32, #tpu.memory_space<vmem>>, %arg9: memref<512x128xf32, #tpu.memory_space<vmem>>) attributes {dimension_semantics = [], scalar_prefetch = 0 : i64, scratch_operands = 0 : i64, tpu.core_type = #tpu.core_type<tc>} {
    %get3A = arith.constant 0 : index
    %get3A_0 = arith.constant 0 : index
    %get3A_1 = vector.load %arg0[%get3A, %get3A_0] : memref<512x128xf32, #tpu.memory_space<vmem>>, vector<512x128xf32>
    %get3A_2 = arith.constant 0 : index
    %get3A_3 = arith.constant 0 : index
    %get3A_4 = vector.load %arg1[%get3A_2, %get3A_3] : memref<512x128xf32, #tpu.memory_space<vmem>>, vector<512x128xf32>
    %get3A_5 = arith.constant 0 : index
    %get3A_6 = arith.constant 0 : index
    %get3A_7 = vector.load %arg2[%get3A_5, %get3A_6] : memref<512x512xf32, #tpu.memory_space<vmem>>, vector<512x512xf32>
    %get3A_8 = arith.constant 0 : index
    %get3A_9 = arith.constant 0 : index
    %get3A_10 = vector.load %arg3[%get3A_8, %get3A_9] : memref<128x128xf32, #tpu.memory_space<vmem>>, vector<128x128xf32>
    %get3A_11 = arith.constant 0 : index
    %get3A_12 = arith.constant 0 : index
    %get3A_13 = vector.load %arg4[%get3A_11, %get3A_12] : memref<1x128xf32, #tpu.memory_space<vmem>>, vector<1x128xf32>
    %get3A_14 = arith.constant 0 : index
    %get3A_15 = arith.constant 0 : index
    %get3A_16 = vector.load %arg5[%get3A_14, %get3A_15] : memref<128x128xf32, #tpu.memory_space<vmem>>, vector<128x128xf32>
    %get3A_17 = arith.constant 0 : index
    %get3A_18 = arith.constant 0 : index
    %get3A_19 = vector.load %arg6[%get3A_17, %get3A_18] : memref<1x128xf32, #tpu.memory_space<vmem>>, vector<1x128xf32>
    %get3A_20 = arith.constant 0 : index
    %get3A_21 = arith.constant 0 : index
    %get3A_22 = vector.load %arg7[%get3A_20, %get3A_21] : memref<128x128xf32, #tpu.memory_space<vmem>>, vector<128x128xf32>
    %get3A_23 = arith.constant 0 : index
    %get3A_24 = arith.constant 0 : index
    %get3A_25 = vector.load %arg8[%get3A_23, %get3A_24] : memref<1x128xf32, #tpu.memory_space<vmem>>, vector<1x128xf32>
    %dot_general3A = arith.constant dense<0.000000e+00> : vector<512x128xf32>
    %dot_general3A_26 = tpu.matmul %get3A_4, %get3A_10, %dot_general3A {dimension_numbers = #tpu.dot_dimension_numbers<[1], [0], [0], [1], [0, 0, 1, 1], [], []>, transpose_lhs_hint = false} : vector<512x128xf32>, vector<128x128xf32>, vector<512x128xf32> -> vector<512x128xf32>
    %add3A = vector.broadcast %get3A_13 : vector<1x128xf32> to vector<512x128xf32>
    %add3A_27 = arith.addf %dot_general3A_26, %add3A : vector<512x128xf32>
    %dot_general3A_28 = arith.constant dense<0.000000e+00> : vector<512x128xf32>
    %dot_general3A_29 = tpu.matmul %get3A_1, %get3A_16, %dot_general3A_28 {dimension_numbers = #tpu.dot_dimension_numbers<[1], [0], [0], [1], [0, 0, 1, 1], [], []>, transpose_lhs_hint = false} : vector<512x128xf32>, vector<128x128xf32>, vector<512x128xf32> -> vector<512x128xf32>
    %add3A_30 = vector.broadcast %get3A_19 : vector<1x128xf32> to vector<512x128xf32>
    %add3A_31 = arith.addf %dot_general3A_29, %add3A_30 : vector<512x128xf32>
    %dot_general3A_32 = arith.constant dense<0.000000e+00> : vector<512x128xf32>
    %dot_general3A_33 = tpu.matmul %get3A_1, %get3A_22, %dot_general3A_32 {dimension_numbers = #tpu.dot_dimension_numbers<[1], [0], [0], [1], [0, 0, 1, 1], [], []>, transpose_lhs_hint = false} : vector<512x128xf32>, vector<128x128xf32>, vector<512x128xf32> -> vector<512x128xf32>
    %add3A_34 = vector.broadcast %get3A_25 : vector<1x128xf32> to vector<512x128xf32>
    %add3A_35 = arith.addf %dot_general3A_33, %add3A_34 : vector<512x128xf32>
    %dot_general3A_36 = arith.constant dense<0.000000e+00> : vector<512x512xf32>
    %dot_general3A_37 = tpu.matmul %add3A_27, %add3A_31, %dot_general3A_36 {dimension_numbers = #tpu.dot_dimension_numbers<[1], [1], [0], [0], [0, 0, 1, 0], [], []>, transpose_lhs_hint = false} : vector<512x128xf32>, vector<512x128xf32>, vector<512x512xf32> -> vector<512x512xf32>
    %mul3A = arith.constant 0.0883883461 : f32
    %mul3A_38 = vector.broadcast %mul3A : f32 to vector<512x512xf32>
    %mul3A_39 = arith.mulf %dot_general3A_37, %mul3A_38 : vector<512x512xf32>
    %gt3A = arith.constant 0.000000e+00 : f32
    %gt3A_40 = vector.broadcast %gt3A : f32 to vector<512x512xf32>
    %gt3A_41 = arith.cmpf ogt, %get3A_7, %gt3A_40 : vector<512x512xf32>
    %jit3A = arith.constant -1.000000e+30 : f32
    %broadcast_in_dim3A = vector.broadcast %jit3A : f32 to vector<512x512xf32>
    %select_n3A = arith.select %gt3A_41, %mul3A_39, %broadcast_in_dim3A : vector<512x512xi1>, vector<512x512xf32>
    %reduce_max3A = arith.constant dense<0xFF800000> : vector<512xf32>
    %reduce_max3A_42 = vector.multi_reduction <maximumf>, %select_n3A, %reduce_max3A [1] : vector<512x512xf32> to vector<512xf32>
    %broadcast_in_dim3A_43 = vector.shape_cast %reduce_max3A_42 : vector<512xf32> to vector<512x1xf32>
    %gt3A_44 = arith.constant -1.000000e+29 : f32
    %gt3A_45 = vector.broadcast %gt3A_44 : f32 to vector<512x1xf32>
    %gt3A_46 = arith.cmpf ogt, %broadcast_in_dim3A_43, %gt3A_45 : vector<512x1xf32>
    %jit3A_47 = arith.constant 0.000000e+00 : f32
    %broadcast_in_dim3A_48 = vector.broadcast %jit3A_47 : f32 to vector<512x1xf32>
    %select_n3A_49 = arith.select %gt3A_46, %broadcast_in_dim3A_43, %broadcast_in_dim3A_48 : vector<512x1xi1>, vector<512x1xf32>
    %sub3A = vector.broadcast %select_n3A_49 : vector<512x1xf32> to vector<512x512xf32>
    %sub3A_50 = arith.subf %mul3A_39, %sub3A : vector<512x512xf32>
    %exp3A = math.exp %sub3A_50 : vector<512x512xf32>
    %mul3A_51 = arith.mulf %get3A_7, %exp3A : vector<512x512xf32>
    %reduce_sum3A = arith.constant dense<0.000000e+00> : vector<512xf32>
    %reduce_sum3A_52 = vector.multi_reduction <add>, %mul3A_51, %reduce_sum3A [1] : vector<512x512xf32> to vector<512xf32>
    %broadcast_in_dim3A_53 = vector.shape_cast %reduce_sum3A_52 : vector<512xf32> to vector<512x1xf32>
    %add3A_54 = arith.constant 1.000000e-16 : f32
    %add3A_55 = vector.broadcast %add3A_54 : f32 to vector<512x1xf32>
    %add3A_56 = arith.addf %broadcast_in_dim3A_53, %add3A_55 : vector<512x1xf32>
    %div3A = vector.broadcast %add3A_56 : vector<512x1xf32> to vector<512x512xf32>
    %div3A_57 = arith.divf %mul3A_51, %div3A : vector<512x512xf32>
    %dot_general3A_58 = arith.constant dense<0.000000e+00> : vector<512x128xf32>
    %dot_general3A_59 = tpu.matmul %div3A_57, %add3A_35, %dot_general3A_58 {dimension_numbers = #tpu.dot_dimension_numbers<[1], [0], [0], [1], [0, 0, 1, 1], [], []>, transpose_lhs_hint = false} : vector<512x512xf32>, vector<512x128xf32>, vector<512x128xf32> -> vector<512x128xf32>
    %swap3A = arith.constant 0 : index
    %swap3A_60 = arith.constant 0 : index
    %swap3A_61 = vector.load %arg9[%swap3A, %swap3A_60] : memref<512x128xf32, #tpu.memory_space<vmem>>, vector<512x128xf32>
    tpu.vector_store %arg9[%swap3A, %swap3A_60], %dot_general3A_59 {strides = array<i32>} : memref<512x128xf32, #tpu.memory_space<vmem>>, vector<512x128xf32>,
    return
  }
}

module attributes {stable_mosaic.version = 14 : i64} {
  func.func @body(%arg0: i32, %arg1: memref<2000x128xf32, #tpu.memory_space<vmem>>, %arg2: memref<2000x128xf32, #tpu.memory_space<vmem>>, %arg3: memref<2000x128xf32, #tpu.memory_space<vmem>>, %arg4: memref<128x128xf32, #tpu.memory_space<vmem>>, %arg5: memref<1x128xf32, #tpu.memory_space<vmem>>, %arg6: memref<128x128xf32, #tpu.memory_space<vmem>>, %arg7: memref<1x128xf32, #tpu.memory_space<vmem>>, %arg8: memref<1x128xf32, #tpu.memory_space<vmem>>, %arg9: memref<1x128xf32, #tpu.memory_space<vmem>>, %arg10: memref<2000x128xf32, #tpu.memory_space<vmem>>) attributes {dimension_semantics = [#tpu.dimension_semantics<arbitrary>], iteration_bounds = array<i64: 5>, scalar_prefetch = 0 : i64, scratch_operands = 0 : i64, tpu.core_type = #tpu.core_type<tc>, window_params = [{transform_indices = @transform_0, window_bounds = array<i64: 2000, 128>}, {transform_indices = @transform_1, window_bounds = array<i64: 2000, 128>}, {transform_indices = @transform_2, window_bounds = array<i64: 2000, 128>}, {pipeline_mode = #tpu.pipeline_mode<synchronous>, transform_indices = @transform_3, window_bounds = array<i64: 128, 128>}, {pipeline_mode = #tpu.pipeline_mode<synchronous>, transform_indices = @transform_4, window_bounds = array<i64: 1, 128>}, {pipeline_mode = #tpu.pipeline_mode<synchronous>, transform_indices = @transform_5, window_bounds = array<i64: 128, 128>}, {pipeline_mode = #tpu.pipeline_mode<synchronous>, transform_indices = @transform_6, window_bounds = array<i64: 1, 128>}, {pipeline_mode = #tpu.pipeline_mode<synchronous>, transform_indices = @transform_7, window_bounds = array<i64: 1, 128>}, {pipeline_mode = #tpu.pipeline_mode<synchronous>, transform_indices = @transform_8, window_bounds = array<i64: 1, 128>}, {transform_indices = @transform_9, window_bounds = array<i64: 2000, 128>}]} {
    %get3A = arith.constant 0 : index
    %get3A_0 = arith.constant 0 : index
    %get3A_1 = vector.load %arg1[%get3A, %get3A_0] : memref<2000x128xf32, #tpu.memory_space<vmem>>, vector<2000x128xf32>
    %get3A_2 = arith.constant 0 : index
    %get3A_3 = arith.constant 0 : index
    %get3A_4 = vector.load %arg2[%get3A_2, %get3A_3] : memref<2000x128xf32, #tpu.memory_space<vmem>>, vector<2000x128xf32>
    %get3A_5 = arith.constant 0 : index
    %get3A_6 = arith.constant 0 : index
    %get3A_7 = vector.load %arg4[%get3A_5, %get3A_6] : memref<128x128xf32, #tpu.memory_space<vmem>>, vector<128x128xf32>
    %dot_general3A = arith.constant dense<0.000000e+00> : vector<2000x128xf32>
    %dot_general3A_8 = tpu.matmul %get3A_4, %get3A_7, %dot_general3A {dimension_numbers = #tpu.dot_dimension_numbers<[1], [0], [0], [1], [0, 0, 1, 1], [], []>, transpose_lhs_hint = false} : vector<2000x128xf32>, vector<128x128xf32>, vector<2000x128xf32> -> vector<2000x128xf32>
    %add3A = arith.addf %get3A_1, %dot_general3A_8 : vector<2000x128xf32>
    %get3A_9 = arith.constant 0 : index
    %get3A_10 = arith.constant 0 : index
    %get3A_11 = vector.load %arg5[%get3A_9, %get3A_10] : memref<1x128xf32, #tpu.memory_space<vmem>>, vector<1x128xf32>
    %add3A_12 = vector.broadcast %get3A_11 : vector<1x128xf32> to vector<2000x128xf32>
    %add3A_13 = arith.addf %add3A, %add3A_12 : vector<2000x128xf32>
    %get3A_14 = arith.constant 0 : index
    %get3A_15 = arith.constant 0 : index
    %get3A_16 = vector.load %arg6[%get3A_14, %get3A_15] : memref<128x128xf32, #tpu.memory_space<vmem>>, vector<128x128xf32>
    %dot_general3A_17 = arith.constant dense<0.000000e+00> : vector<2000x128xf32>
    %dot_general3A_18 = tpu.matmul %add3A_13, %get3A_16, %dot_general3A_17 {dimension_numbers = #tpu.dot_dimension_numbers<[1], [0], [0], [1], [0, 0, 1, 1], [], []>, transpose_lhs_hint = false} : vector<2000x128xf32>, vector<128x128xf32>, vector<2000x128xf32> -> vector<2000x128xf32>
    %get3A_19 = arith.constant 0 : index
    %get3A_20 = arith.constant 0 : index
    %get3A_21 = vector.load %arg7[%get3A_19, %get3A_20] : memref<1x128xf32, #tpu.memory_space<vmem>>, vector<1x128xf32>
    %add3A_22 = vector.broadcast %get3A_21 : vector<1x128xf32> to vector<2000x128xf32>
    %add3A_23 = arith.addf %dot_general3A_18, %add3A_22 : vector<2000x128xf32>
    %get3A_24 = arith.constant 0 : index
    %get3A_25 = arith.constant 0 : index
    %get3A_26 = vector.load %arg3[%get3A_24, %get3A_25] : memref<2000x128xf32, #tpu.memory_space<vmem>>, vector<2000x128xf32>
    %add3A_27 = arith.addf %add3A_23, %get3A_26 : vector<2000x128xf32>
    %get3A_28 = arith.constant 0 : index
    %get3A_29 = arith.constant 0 : index
    %get3A_30 = vector.load %arg8[%get3A_28, %get3A_29] : memref<1x128xf32, #tpu.memory_space<vmem>>, vector<1x128xf32>
    %get3A_31 = arith.constant 0 : index
    %get3A_32 = arith.constant 0 : index
    %get3A_33 = vector.load %arg9[%get3A_31, %get3A_32] : memref<1x128xf32, #tpu.memory_space<vmem>>, vector<1x128xf32>
    %reduce_sum3A = arith.constant dense<0.000000e+00> : vector<2000xf32>
    %reduce_sum3A_34 = vector.multi_reduction <add>, %add3A_27, %reduce_sum3A [1] : vector<2000x128xf32> to vector<2000xf32>
    %broadcast_in_dim3A = vector.shape_cast %reduce_sum3A_34 : vector<2000xf32> to vector<2000x1xf32>
    %div3A = arith.constant 1.280000e+02 : f32
    %div3A_35 = vector.broadcast %div3A : f32 to vector<2000x1xf32>
    %div3A_36 = arith.divf %broadcast_in_dim3A, %div3A_35 : vector<2000x1xf32>
    %sub3A = vector.broadcast %div3A_36 : vector<2000x1xf32> to vector<2000x128xf32>
    %sub3A_37 = arith.subf %add3A_27, %sub3A : vector<2000x128xf32>
    %integer_pow3A = arith.mulf %sub3A_37, %sub3A_37 : vector<2000x128xf32>
    %reduce_sum3A_38 = arith.constant dense<0.000000e+00> : vector<2000xf32>
    %reduce_sum3A_39 = vector.multi_reduction <add>, %integer_pow3A, %reduce_sum3A_38 [1] : vector<2000x128xf32> to vector<2000xf32>
    %broadcast_in_dim3A_40 = vector.shape_cast %reduce_sum3A_39 : vector<2000xf32> to vector<2000x1xf32>
    %div3A_41 = arith.constant 1.280000e+02 : f32
    %div3A_42 = vector.broadcast %div3A_41 : f32 to vector<2000x1xf32>
    %div3A_43 = arith.divf %broadcast_in_dim3A_40, %div3A_42 : vector<2000x1xf32>
    %sub3A_44 = vector.broadcast %div3A_36 : vector<2000x1xf32> to vector<2000x128xf32>
    %sub3A_45 = arith.subf %add3A_27, %sub3A_44 : vector<2000x128xf32>
    %add3A_46 = arith.constant 9.99999974E-6 : f32
    %add3A_47 = vector.broadcast %add3A_46 : f32 to vector<2000x1xf32>
    %add3A_48 = arith.addf %div3A_43, %add3A_47 : vector<2000x1xf32>
    %sqrt3A = math.sqrt %add3A_48 : vector<2000x1xf32>
    %div3A_49 = vector.broadcast %sqrt3A : vector<2000x1xf32> to vector<2000x128xf32>
    %div3A_50 = arith.divf %sub3A_45, %div3A_49 : vector<2000x128xf32>
    %mul3A = vector.broadcast %get3A_30 : vector<1x128xf32> to vector<2000x128xf32>
    %mul3A_51 = arith.mulf %div3A_50, %mul3A : vector<2000x128xf32>
    %add3A_52 = vector.broadcast %get3A_33 : vector<1x128xf32> to vector<2000x128xf32>
    %add3A_53 = arith.addf %mul3A_51, %add3A_52 : vector<2000x128xf32>
    %swap3A = arith.constant 0 : index
    %swap3A_54 = arith.constant 0 : index
    %swap3A_55 = vector.load %arg10[%swap3A, %swap3A_54] : memref<2000x128xf32, #tpu.memory_space<vmem>>, vector<2000x128xf32>
    tpu.vector_store %arg10[%swap3A, %swap3A_54], %add3A_53 {strides = array<i32>} : memref<2000x128xf32, #tpu.memory_space<vmem>>, vector<2000x128xf32>,
    return
  }
  func.func @transform_0(%arg0: i32) -> (i32, i32) {
    %c0_i32 = arith.constant 0 : i32
    %c0_i32_0 = arith.constant 0 : i32
    return %arg0, %c0_i32 : i32, i32
  }
  func.func @transform_1(%arg0: i32) -> (i32, i32) {
    %c0_i32 = arith.constant 0 : i32
    %c0_i32_0 = arith.constant 0 : i32
    return %arg0, %c0_i32 : i32, i32
  }
  func.func @transform_2(%arg0: i32) -> (i32, i32) {
    %c0_i32 = arith.constant 0 : i32
    %c0_i32_0 = arith.constant 0 : i32
    return %arg0, %c0_i32 : i32, i32
  }
  func.func @transform_3(%arg0: i32) -> (i32, i32) {
    %c0_i32 = arith.constant 0 : i32
    %c0_i32_0 = arith.constant 0 : i32
    %c0_i32_1 = arith.constant 0 : i32
    return %c0_i32, %c0_i32_0 : i32, i32
  }
  func.func @transform_4(%arg0: i32) -> (i32, i32) {
    %c0_i32 = arith.constant 0 : i32
    %c0_i32_0 = arith.constant 0 : i32
    %c0_i32_1 = arith.constant 0 : i32
    return %c0_i32, %c0_i32_0 : i32, i32
  }
  func.func @transform_5(%arg0: i32) -> (i32, i32) {
    %c0_i32 = arith.constant 0 : i32
    %c0_i32_0 = arith.constant 0 : i32
    %c0_i32_1 = arith.constant 0 : i32
    return %c0_i32, %c0_i32_0 : i32, i32
  }
  func.func @transform_6(%arg0: i32) -> (i32, i32) {
    %c0_i32 = arith.constant 0 : i32
    %c0_i32_0 = arith.constant 0 : i32
    %c0_i32_1 = arith.constant 0 : i32
    return %c0_i32, %c0_i32_0 : i32, i32
  }
  func.func @transform_7(%arg0: i32) -> (i32, i32) {
    %c0_i32 = arith.constant 0 : i32
    %c0_i32_0 = arith.constant 0 : i32
    %c0_i32_1 = arith.constant 0 : i32
    return %c0_i32, %c0_i32_0 : i32, i32
  }
  func.func @transform_8(%arg0: i32) -> (i32, i32) {
    %c0_i32 = arith.constant 0 : i32
    %c0_i32_0 = arith.constant 0 : i32
    %c0_i32_1 = arith.constant 0 : i32
    return %c0_i32, %c0_i32_0 : i32, i32
  }
  func.func @transform_9(%arg0: i32) -> (i32, i32) {
    %c0_i32 = arith.constant 0 : i32
    %c0_i32_0 = arith.constant 0 : i32
    return %arg0, %c0_i32 : i32, i32
  }
}

module attributes {stable_mosaic.version = 14 : i64} {
  func.func @body(%arg0: i32, %arg1: memref<2000x128xf32, #tpu.memory_space<vmem>>, %arg2: memref<128x384xf32, #tpu.memory_space<vmem>>, %arg3: memref<1x384xf32, #tpu.memory_space<vmem>>, %arg4: memref<2000x384xf32, #tpu.memory_space<vmem>>) attributes {dimension_semantics = [#tpu.dimension_semantics<arbitrary>], iteration_bounds = array<i64: 5>, scalar_prefetch = 0 : i64, scratch_operands = 0 : i64, tpu.core_type = #tpu.core_type<tc>, window_params = [{transform_indices = @transform_0, window_bounds = array<i64: 2000, 128>}, {pipeline_mode = #tpu.pipeline_mode<synchronous>, transform_indices = @transform_1, window_bounds = array<i64: 128, 384>}, {pipeline_mode = #tpu.pipeline_mode<synchronous>, transform_indices = @transform_2, window_bounds = array<i64: 1, 384>}, {transform_indices = @transform_3, window_bounds = array<i64: 2000, 384>}]} {
    %get3A = arith.constant 0 : index
    %get3A_0 = arith.constant 0 : index
    %get3A_1 = vector.load %arg1[%get3A, %get3A_0] : memref<2000x128xf32, #tpu.memory_space<vmem>>, vector<2000x128xf32>
    %get3A_2 = arith.constant 0 : index
    %get3A_3 = arith.constant 0 : index
    %get3A_4 = vector.load %arg2[%get3A_2, %get3A_3] : memref<128x384xf32, #tpu.memory_space<vmem>>, vector<128x384xf32>
    %dot_general3A = arith.constant dense<0.000000e+00> : vector<2000x384xf32>
    %dot_general3A_5 = tpu.matmul %get3A_1, %get3A_4, %dot_general3A {dimension_numbers = #tpu.dot_dimension_numbers<[1], [0], [0], [1], [0, 0, 1, 1], [], []>, transpose_lhs_hint = false} : vector<2000x128xf32>, vector<128x384xf32>, vector<2000x384xf32> -> vector<2000x384xf32>
    %get3A_6 = arith.constant 0 : index
    %get3A_7 = arith.constant 0 : index
    %get3A_8 = vector.load %arg3[%get3A_6, %get3A_7] : memref<1x384xf32, #tpu.memory_space<vmem>>, vector<1x384xf32>
    %add3A = vector.broadcast %get3A_8 : vector<1x384xf32> to vector<2000x384xf32>
    %add3A_9 = arith.addf %dot_general3A_5, %add3A : vector<2000x384xf32>
    %swap3A = arith.constant 0 : index
    %swap3A_10 = arith.constant 0 : index
    %swap3A_11 = vector.load %arg4[%swap3A, %swap3A_10] : memref<2000x384xf32, #tpu.memory_space<vmem>>, vector<2000x384xf32>
    tpu.vector_store %arg4[%swap3A, %swap3A_10], %add3A_9 {strides = array<i32>} : memref<2000x384xf32, #tpu.memory_space<vmem>>, vector<2000x384xf32>,
    return
  }
  func.func @transform_0(%arg0: i32) -> (i32, i32) {
    %c0_i32 = arith.constant 0 : i32
    %c0_i32_0 = arith.constant 0 : i32
    return %arg0, %c0_i32 : i32, i32
  }
  func.func @transform_1(%arg0: i32) -> (i32, i32) {
    %c0_i32 = arith.constant 0 : i32
    %c0_i32_0 = arith.constant 0 : i32
    %c0_i32_1 = arith.constant 0 : i32
    return %c0_i32, %c0_i32_0 : i32, i32
  }
  func.func @transform_2(%arg0: i32) -> (i32, i32) {
    %c0_i32 = arith.constant 0 : i32
    %c0_i32_0 = arith.constant 0 : i32
    %c0_i32_1 = arith.constant 0 : i32
    return %c0_i32, %c0_i32_0 : i32, i32
  }
  func.func @transform_3(%arg0: i32) -> (i32, i32) {
    %c0_i32 = arith.constant 0 : i32
    %c0_i32_0 = arith.constant 0 : i32
    return %arg0, %c0_i32 : i32, i32
  }
}

module attributes {stable_mosaic.version = 14 : i64} {
  func.func @body(%arg0: memref<512x128xf32, #tpu.memory_space<vmem>>, %arg1: memref<128x128xf32, #tpu.memory_space<vmem>>, %arg2: memref<1x128xf32, #tpu.memory_space<vmem>>, %arg3: memref<128x128xf32, #tpu.memory_space<vmem>>, %arg4: memref<1x128xf32, #tpu.memory_space<vmem>>, %arg5: memref<1x128xf32, #tpu.memory_space<vmem>>, %arg6: memref<1x128xf32, #tpu.memory_space<vmem>>, %arg7: memref<512x128xf32, #tpu.memory_space<vmem>>) attributes {dimension_semantics = [], scalar_prefetch = 0 : i64, scratch_operands = 0 : i64, tpu.core_type = #tpu.core_type<tc>} {
    %get3A = arith.constant 0 : index
    %get3A_0 = arith.constant 0 : index
    %get3A_1 = vector.load %arg0[%get3A, %get3A_0] : memref<512x128xf32, #tpu.memory_space<vmem>>, vector<512x128xf32>
    %get3A_2 = arith.constant 0 : index
    %get3A_3 = arith.constant 0 : index
    %get3A_4 = vector.load %arg1[%get3A_2, %get3A_3] : memref<128x128xf32, #tpu.memory_space<vmem>>, vector<128x128xf32>
    %dot_general3A = arith.constant dense<0.000000e+00> : vector<512x128xf32>
    %dot_general3A_5 = tpu.matmul %get3A_1, %get3A_4, %dot_general3A {dimension_numbers = #tpu.dot_dimension_numbers<[1], [0], [0], [1], [0, 0, 1, 1], [], []>, transpose_lhs_hint = false} : vector<512x128xf32>, vector<128x128xf32>, vector<512x128xf32> -> vector<512x128xf32>
    %get3A_6 = arith.constant 0 : index
    %get3A_7 = arith.constant 0 : index
    %get3A_8 = vector.load %arg2[%get3A_6, %get3A_7] : memref<1x128xf32, #tpu.memory_space<vmem>>, vector<1x128xf32>
    %add3A = vector.broadcast %get3A_8 : vector<1x128xf32> to vector<512x128xf32>
    %add3A_9 = arith.addf %dot_general3A_5, %add3A : vector<512x128xf32>
    %mul3A = arith.constant 5.000000e-01 : f32
    %mul3A_10 = vector.broadcast %mul3A : f32 to vector<512x128xf32>
    %mul3A_11 = arith.mulf %mul3A_10, %add3A_9 : vector<512x128xf32>
    %integer_pow3A = arith.mulf %add3A_9, %add3A_9 : vector<512x128xf32>
    %integer_pow3A_12 = arith.mulf %add3A_9, %integer_pow3A : vector<512x128xf32>
    %mul3A_13 = arith.constant 4.471500e-02 : f32
    %mul3A_14 = vector.broadcast %mul3A_13 : f32 to vector<512x128xf32>
    %mul3A_15 = arith.mulf %mul3A_14, %integer_pow3A_12 : vector<512x128xf32>
    %add3A_16 = arith.addf %add3A_9, %mul3A_15 : vector<512x128xf32>
    %mul3A_17 = arith.constant 0.797884583 : f32
    %mul3A_18 = vector.broadcast %mul3A_17 : f32 to vector<512x128xf32>
    %mul3A_19 = arith.mulf %mul3A_18, %add3A_16 : vector<512x128xf32>
    %tanh3A = math.tanh %mul3A_19 : vector<512x128xf32>
    %add3A_20 = arith.constant 1.000000e+00 : f32
    %add3A_21 = vector.broadcast %add3A_20 : f32 to vector<512x128xf32>
    %add3A_22 = arith.addf %add3A_21, %tanh3A : vector<512x128xf32>
    %mul3A_23 = arith.mulf %mul3A_11, %add3A_22 : vector<512x128xf32>
    %get3A_24 = arith.constant 0 : index
    %get3A_25 = arith.constant 0 : index
    %get3A_26 = vector.load %arg3[%get3A_24, %get3A_25] : memref<128x128xf32, #tpu.memory_space<vmem>>, vector<128x128xf32>
    %dot_general3A_27 = arith.constant dense<0.000000e+00> : vector<512x128xf32>
    %dot_general3A_28 = tpu.matmul %mul3A_23, %get3A_26, %dot_general3A_27 {dimension_numbers = #tpu.dot_dimension_numbers<[1], [0], [0], [1], [0, 0, 1, 1], [], []>, transpose_lhs_hint = false} : vector<512x128xf32>, vector<128x128xf32>, vector<512x128xf32> -> vector<512x128xf32>
    %get3A_29 = arith.constant 0 : index
    %get3A_30 = arith.constant 0 : index
    %get3A_31 = vector.load %arg4[%get3A_29, %get3A_30] : memref<1x128xf32, #tpu.memory_space<vmem>>, vector<1x128xf32>
    %add3A_32 = vector.broadcast %get3A_31 : vector<1x128xf32> to vector<512x128xf32>
    %add3A_33 = arith.addf %dot_general3A_28, %add3A_32 : vector<512x128xf32>
    %add3A_34 = arith.addf %add3A_33, %get3A_1 : vector<512x128xf32>
    %get3A_35 = arith.constant 0 : index
    %get3A_36 = arith.constant 0 : index
    %get3A_37 = vector.load %arg5[%get3A_35, %get3A_36] : memref<1x128xf32, #tpu.memory_space<vmem>>, vector<1x128xf32>
    %get3A_38 = arith.constant 0 : index
    %get3A_39 = arith.constant 0 : index
    %get3A_40 = vector.load %arg6[%get3A_38, %get3A_39] : memref<1x128xf32, #tpu.memory_space<vmem>>, vector<1x128xf32>
    %reduce_sum3A = arith.constant dense<0.000000e+00> : vector<512xf32>
    %reduce_sum3A_41 = vector.multi_reduction <add>, %add3A_34, %reduce_sum3A [1] : vector<512x128xf32> to vector<512xf32>
    %broadcast_in_dim3A = vector.shape_cast %reduce_sum3A_41 : vector<512xf32> to vector<512x1xf32>
    %div3A = arith.constant 1.280000e+02 : f32
    %div3A_42 = vector.broadcast %div3A : f32 to vector<512x1xf32>
    %div3A_43 = arith.divf %broadcast_in_dim3A, %div3A_42 : vector<512x1xf32>
    %sub3A = vector.broadcast %div3A_43 : vector<512x1xf32> to vector<512x128xf32>
    %sub3A_44 = arith.subf %add3A_34, %sub3A : vector<512x128xf32>
    %integer_pow3A_45 = arith.mulf %sub3A_44, %sub3A_44 : vector<512x128xf32>
    %reduce_sum3A_46 = arith.constant dense<0.000000e+00> : vector<512xf32>
    %reduce_sum3A_47 = vector.multi_reduction <add>, %integer_pow3A_45, %reduce_sum3A_46 [1] : vector<512x128xf32> to vector<512xf32>
    %broadcast_in_dim3A_48 = vector.shape_cast %reduce_sum3A_47 : vector<512xf32> to vector<512x1xf32>
    %div3A_49 = arith.constant 1.280000e+02 : f32
    %div3A_50 = vector.broadcast %div3A_49 : f32 to vector<512x1xf32>
    %div3A_51 = arith.divf %broadcast_in_dim3A_48, %div3A_50 : vector<512x1xf32>
    %sub3A_52 = vector.broadcast %div3A_43 : vector<512x1xf32> to vector<512x128xf32>
    %sub3A_53 = arith.subf %add3A_34, %sub3A_52 : vector<512x128xf32>
    %add3A_54 = arith.constant 9.99999974E-6 : f32
    %add3A_55 = vector.broadcast %add3A_54 : f32 to vector<512x1xf32>
    %add3A_56 = arith.addf %div3A_51, %add3A_55 : vector<512x1xf32>
    %sqrt3A = math.sqrt %add3A_56 : vector<512x1xf32>
    %div3A_57 = vector.broadcast %sqrt3A : vector<512x1xf32> to vector<512x128xf32>
    %div3A_58 = arith.divf %sub3A_53, %div3A_57 : vector<512x128xf32>
    %mul3A_59 = vector.broadcast %get3A_37 : vector<1x128xf32> to vector<512x128xf32>
    %mul3A_60 = arith.mulf %div3A_58, %mul3A_59 : vector<512x128xf32>
    %add3A_61 = vector.broadcast %get3A_40 : vector<1x128xf32> to vector<512x128xf32>
    %add3A_62 = arith.addf %mul3A_60, %add3A_61 : vector<512x128xf32>
    %swap3A = arith.constant 0 : index
    %swap3A_63 = arith.constant 0 : index
    %swap3A_64 = vector.load %arg7[%swap3A, %swap3A_63] : memref<512x128xf32, #tpu.memory_space<vmem>>, vector<512x128xf32>
    tpu.vector_store %arg7[%swap3A, %swap3A_63], %add3A_62 {strides = array<i32>} : memref<512x128xf32, #tpu.memory_space<vmem>>, vector<512x128xf32>,
    return
  }
}

module attributes {stable_mosaic.version = 14 : i64} {
  func.func @body(%arg0: i32, %arg1: memref<2000x128xf32, #tpu.memory_space<vmem>>, %arg2: memref<2000x128xf32, #tpu.memory_space<vmem>>, %arg3: memref<2000x2xf32, #tpu.memory_space<vmem>>, %arg4: memref<2000x128xf32, #tpu.memory_space<vmem>>, %arg5: memref<128x128xf32, #tpu.memory_space<vmem>>, %arg6: memref<1x128xf32, #tpu.memory_space<vmem>>, %arg7: memref<128x128xf32, #tpu.memory_space<vmem>>, %arg8: memref<1x128xf32, #tpu.memory_space<vmem>>, %arg9: memref<1x128xf32, #tpu.memory_space<vmem>>, %arg10: memref<1x128xf32, #tpu.memory_space<vmem>>, %arg11: memref<2000x128xf32, #tpu.memory_space<vmem>>) attributes {dimension_semantics = [#tpu.dimension_semantics<arbitrary>], iteration_bounds = array<i64: 5>, scalar_prefetch = 0 : i64, scratch_operands = 0 : i64, tpu.core_type = #tpu.core_type<tc>, window_params = [{transform_indices = @transform_0, window_bounds = array<i64: 2000, 128>}, {transform_indices = @transform_1, window_bounds = array<i64: 2000, 128>}, {transform_indices = @transform_2, window_bounds = array<i64: 2000, 2>}, {transform_indices = @transform_3, window_bounds = array<i64: 2000, 128>}, {pipeline_mode = #tpu.pipeline_mode<synchronous>, transform_indices = @transform_4, window_bounds = array<i64: 128, 128>}, {pipeline_mode = #tpu.pipeline_mode<synchronous>, transform_indices = @transform_5, window_bounds = array<i64: 1, 128>}, {pipeline_mode = #tpu.pipeline_mode<synchronous>, transform_indices = @transform_6, window_bounds = array<i64: 128, 128>}, {pipeline_mode = #tpu.pipeline_mode<synchronous>, transform_indices = @transform_7, window_bounds = array<i64: 1, 128>}, {pipeline_mode = #tpu.pipeline_mode<synchronous>, transform_indices = @transform_8, window_bounds = array<i64: 1, 128>}, {pipeline_mode = #tpu.pipeline_mode<synchronous>, transform_indices = @transform_9, window_bounds = array<i64: 1, 128>}, {transform_indices = @transform_10, window_bounds = array<i64: 2000, 128>}]} {
    %get3A = arith.constant 0 : index
    %get3A_0 = arith.constant 0 : index
    %get3A_1 = vector.load %arg1[%get3A, %get3A_0] : memref<2000x128xf32, #tpu.memory_space<vmem>>, vector<2000x128xf32>
    %get3A_2 = arith.constant 0 : index
    %get3A_3 = arith.constant 0 : index
    %get3A_4 = vector.load %arg2[%get3A_2, %get3A_3] : memref<2000x128xf32, #tpu.memory_space<vmem>>, vector<2000x128xf32>
    %add3A = arith.addf %get3A_1, %get3A_4 : vector<2000x128xf32>
    %get3A_5 = arith.constant 0 : index
    %get3A_6 = arith.constant 0 : index
    %get3A_7 = vector.load %arg3[%get3A_5, %get3A_6] : memref<2000x2xf32, #tpu.memory_space<vmem>>, vector<2000x2xf32>
    %reduce_sum3A = arith.constant dense<0.000000e+00> : vector<2000xf32>
    %reduce_sum3A_8 = vector.multi_reduction <add>, %get3A_7, %reduce_sum3A [1] : vector<2000x2xf32> to vector<2000xf32>
    %broadcast_in_dim3A = vector.shape_cast %reduce_sum3A_8 : vector<2000xf32> to vector<2000x1xf32>
    %add3A_9 = arith.constant 1.000000e-16 : f32
    %add3A_10 = vector.broadcast %add3A_9 : f32 to vector<2000x1xf32>
    %add3A_11 = arith.addf %broadcast_in_dim3A, %add3A_10 : vector<2000x1xf32>
    %div3A = vector.broadcast %add3A_11 : vector<2000x1xf32> to vector<2000x128xf32>
    %div3A_12 = arith.divf %add3A, %div3A : vector<2000x128xf32>
    %get3A_13 = arith.constant 0 : index
    %get3A_14 = arith.constant 0 : index
    %get3A_15 = vector.load %arg4[%get3A_13, %get3A_14] : memref<2000x128xf32, #tpu.memory_space<vmem>>, vector<2000x128xf32>
    %get3A_16 = arith.constant 0 : index
    %get3A_17 = arith.constant 0 : index
    %get3A_18 = vector.load %arg5[%get3A_16, %get3A_17] : memref<128x128xf32, #tpu.memory_space<vmem>>, vector<128x128xf32>
    %dot_general3A = arith.constant dense<0.000000e+00> : vector<2000x128xf32>
    %dot_general3A_19 = tpu.matmul %get3A_15, %get3A_18, %dot_general3A {dimension_numbers = #tpu.dot_dimension_numbers<[1], [0], [0], [1], [0, 0, 1, 1], [], []>, transpose_lhs_hint = false} : vector<2000x128xf32>, vector<128x128xf32>, vector<2000x128xf32> -> vector<2000x128xf32>
    %add3A_20 = arith.addf %div3A_12, %dot_general3A_19 : vector<2000x128xf32>
    %get3A_21 = arith.constant 0 : index
    %get3A_22 = arith.constant 0 : index
    %get3A_23 = vector.load %arg6[%get3A_21, %get3A_22] : memref<1x128xf32, #tpu.memory_space<vmem>>, vector<1x128xf32>
    %add3A_24 = vector.broadcast %get3A_23 : vector<1x128xf32> to vector<2000x128xf32>
    %add3A_25 = arith.addf %add3A_20, %add3A_24 : vector<2000x128xf32>
    %get3A_26 = arith.constant 0 : index
    %get3A_27 = arith.constant 0 : index
    %get3A_28 = vector.load %arg7[%get3A_26, %get3A_27] : memref<128x128xf32, #tpu.memory_space<vmem>>, vector<128x128xf32>
    %dot_general3A_29 = arith.constant dense<0.000000e+00> : vector<2000x128xf32>
    %dot_general3A_30 = tpu.matmul %add3A_25, %get3A_28, %dot_general3A_29 {dimension_numbers = #tpu.dot_dimension_numbers<[1], [0], [0], [1], [0, 0, 1, 1], [], []>, transpose_lhs_hint = false} : vector<2000x128xf32>, vector<128x128xf32>, vector<2000x128xf32> -> vector<2000x128xf32>
    %get3A_31 = arith.constant 0 : index
    %get3A_32 = arith.constant 0 : index
    %get3A_33 = vector.load %arg8[%get3A_31, %get3A_32] : memref<1x128xf32, #tpu.memory_space<vmem>>, vector<1x128xf32>
    %add3A_34 = vector.broadcast %get3A_33 : vector<1x128xf32> to vector<2000x128xf32>
    %add3A_35 = arith.addf %dot_general3A_30, %add3A_34 : vector<2000x128xf32>
    %get3A_36 = arith.constant 0 : index
    %get3A_37 = arith.constant 0 : index
    %get3A_38 = vector.load %arg4[%get3A_36, %get3A_37] : memref<2000x128xf32, #tpu.memory_space<vmem>>, vector<2000x128xf32>
    %add3A_39 = arith.addf %add3A_35, %get3A_38 : vector<2000x128xf32>
    %get3A_40 = arith.constant 0 : index
    %get3A_41 = arith.constant 0 : index
    %get3A_42 = vector.load %arg9[%get3A_40, %get3A_41] : memref<1x128xf32, #tpu.memory_space<vmem>>, vector<1x128xf32>
    %get3A_43 = arith.constant 0 : index
    %get3A_44 = arith.constant 0 : index
    %get3A_45 = vector.load %arg10[%get3A_43, %get3A_44] : memref<1x128xf32, #tpu.memory_space<vmem>>, vector<1x128xf32>
    %reduce_sum3A_46 = arith.constant dense<0.000000e+00> : vector<2000xf32>
    %reduce_sum3A_47 = vector.multi_reduction <add>, %add3A_39, %reduce_sum3A_46 [1] : vector<2000x128xf32> to vector<2000xf32>
    %broadcast_in_dim3A_48 = vector.shape_cast %reduce_sum3A_47 : vector<2000xf32> to vector<2000x1xf32>
    %div3A_49 = arith.constant 1.280000e+02 : f32
    %div3A_50 = vector.broadcast %div3A_49 : f32 to vector<2000x1xf32>
    %div3A_51 = arith.divf %broadcast_in_dim3A_48, %div3A_50 : vector<2000x1xf32>
    %sub3A = vector.broadcast %div3A_51 : vector<2000x1xf32> to vector<2000x128xf32>
    %sub3A_52 = arith.subf %add3A_39, %sub3A : vector<2000x128xf32>
    %integer_pow3A = arith.mulf %sub3A_52, %sub3A_52 : vector<2000x128xf32>
    %reduce_sum3A_53 = arith.constant dense<0.000000e+00> : vector<2000xf32>
    %reduce_sum3A_54 = vector.multi_reduction <add>, %integer_pow3A, %reduce_sum3A_53 [1] : vector<2000x128xf32> to vector<2000xf32>
    %broadcast_in_dim3A_55 = vector.shape_cast %reduce_sum3A_54 : vector<2000xf32> to vector<2000x1xf32>
    %div3A_56 = arith.constant 1.280000e+02 : f32
    %div3A_57 = vector.broadcast %div3A_56 : f32 to vector<2000x1xf32>
    %div3A_58 = arith.divf %broadcast_in_dim3A_55, %div3A_57 : vector<2000x1xf32>
    %sub3A_59 = vector.broadcast %div3A_51 : vector<2000x1xf32> to vector<2000x128xf32>
    %sub3A_60 = arith.subf %add3A_39, %sub3A_59 : vector<2000x128xf32>
    %add3A_61 = arith.constant 9.99999974E-6 : f32
    %add3A_62 = vector.broadcast %add3A_61 : f32 to vector<2000x1xf32>
    %add3A_63 = arith.addf %div3A_58, %add3A_62 : vector<2000x1xf32>
    %sqrt3A = math.sqrt %add3A_63 : vector<2000x1xf32>
    %div3A_64 = vector.broadcast %sqrt3A : vector<2000x1xf32> to vector<2000x128xf32>
    %div3A_65 = arith.divf %sub3A_60, %div3A_64 : vector<2000x128xf32>
    %mul3A = vector.broadcast %get3A_42 : vector<1x128xf32> to vector<2000x128xf32>
    %mul3A_66 = arith.mulf %div3A_65, %mul3A : vector<2000x128xf32>
    %add3A_67 = vector.broadcast %get3A_45 : vector<1x128xf32> to vector<2000x128xf32>
    %add3A_68 = arith.addf %mul3A_66, %add3A_67 : vector<2000x128xf32>
    %swap3A = arith.constant 0 : index
    %swap3A_69 = arith.constant 0 : index
    %swap3A_70 = vector.load %arg11[%swap3A, %swap3A_69] : memref<2000x128xf32, #tpu.memory_space<vmem>>, vector<2000x128xf32>
    tpu.vector_store %arg11[%swap3A, %swap3A_69], %add3A_68 {strides = array<i32>} : memref<2000x128xf32, #tpu.memory_space<vmem>>, vector<2000x128xf32>,
    return
  }
  func.func @transform_0(%arg0: i32) -> (i32, i32) {
    %c0_i32 = arith.constant 0 : i32
    %c0_i32_0 = arith.constant 0 : i32
    return %arg0, %c0_i32 : i32, i32
  }
  func.func @transform_1(%arg0: i32) -> (i32, i32) {
    %c0_i32 = arith.constant 0 : i32
    %c0_i32_0 = arith.constant 0 : i32
    return %arg0, %c0_i32 : i32, i32
  }
  func.func @transform_2(%arg0: i32) -> (i32, i32) {
    %c0_i32 = arith.constant 0 : i32
    %c0_i32_0 = arith.constant 0 : i32
    return %arg0, %c0_i32 : i32, i32
  }
  func.func @transform_3(%arg0: i32) -> (i32, i32) {
    %c0_i32 = arith.constant 0 : i32
    %c0_i32_0 = arith.constant 0 : i32
    return %arg0, %c0_i32 : i32, i32
  }
  func.func @transform_4(%arg0: i32) -> (i32, i32) {
    %c0_i32 = arith.constant 0 : i32
    %c0_i32_0 = arith.constant 0 : i32
    %c0_i32_1 = arith.constant 0 : i32
    return %c0_i32, %c0_i32_0 : i32, i32
  }
  func.func @transform_5(%arg0: i32) -> (i32, i32) {
    %c0_i32 = arith.constant 0 : i32
    %c0_i32_0 = arith.constant 0 : i32
    %c0_i32_1 = arith.constant 0 : i32
    return %c0_i32, %c0_i32_0 : i32, i32
  }
  func.func @transform_6(%arg0: i32) -> (i32, i32) {
    %c0_i32 = arith.constant 0 : i32
    %c0_i32_0 = arith.constant 0 : i32
    %c0_i32_1 = arith.constant 0 : i32
    return %c0_i32, %c0_i32_0 : i32, i32
  }
  func.func @transform_7(%arg0: i32) -> (i32, i32) {
    %c0_i32 = arith.constant 0 : i32
    %c0_i32_0 = arith.constant 0 : i32
    %c0_i32_1 = arith.constant 0 : i32
    return %c0_i32, %c0_i32_0 : i32, i32
  }
  func.func @transform_8(%arg0: i32) -> (i32, i32) {
    %c0_i32 = arith.constant 0 : i32
    %c0_i32_0 = arith.constant 0 : i32
    %c0_i32_1 = arith.constant 0 : i32
    return %c0_i32, %c0_i32_0 : i32, i32
  }
  func.func @transform_9(%arg0: i32) -> (i32, i32) {
    %c0_i32 = arith.constant 0 : i32
    %c0_i32_0 = arith.constant 0 : i32
    %c0_i32_1 = arith.constant 0 : i32
    return %c0_i32, %c0_i32_0 : i32, i32
  }
  func.func @transform_10(%arg0: i32) -> (i32, i32) {
    %c0_i32 = arith.constant 0 : i32
    %c0_i32_0 = arith.constant 0 : i32
    return %arg0, %c0_i32 : i32, i32
  }
}

</mosaic_0001>

<sc_bundles>
// kernel: kernel.15.cloned.1.call-start
scs
__scs_entry_jumppad:
0x0: {  	(pc) =	sbr.rel $0x88, $3  }
0x1: {  	(tag) =	ssettag $0x0;
	lr =	simm.s32 $0x1  }
0x2: {  	[smem:$0x3F65] =	sst lr;
	_ =	strace $0xD0000000  }
0x3: {  	_ = 	snop  }
0x4: {  	_ = 	snop  }
0x5: {  	_ = 	snop  }
0x6: {  	_ = 	snop  }
0x7: {  	_ = 	snop  }
__scs_overlays_trampoline_lowered:
0x8: {  	[smem:$0x3F74] =	sst s0  }
0x9: {  	[smem:$0x3F75] =	sst s1  }
0xa: {  	[smem:$0x3F76] =	sst s2  }
0xb: {  	[smem:$0x3F77] =	sst s3  }
0xc: {  	[smem:$0x3F78] =	sst s4  }
0xd: {  	[smem:$0x3F79] =	sst s5  }
0xe: {  	[smem:$0x3F7A] =	sst s6  }
0xf: {  	[smem:$0x3F7B] =	sst s7  }
0x10: {  	[smem:$0x3F7C] =	sst s8  }
0x11: {  	[smem:$0x3F7D] =	sst s9;
	s0 =	simm.s32 @!p0 $0x0  }
0x12: {  	s1 =	sld [smem:$0x3F63];
	s0 =	simm.s32 @p0 $0x1  }
0x13: {  	[smem:$0x3F7E] =	sst s0;
	s0 =	simm.s32 @!p1 $0x0  }
0x14: {  	s2 =	sld [smem:$0x3F62];
	s0 =	simm.s32 @p1 $0x1  }
0x15: {  	[smem:$0x3F7F] =	sst s0;
	s0 =	simm.s32 @!p2 $0x0  }
0x16: {  	s3 =	sld [smem:$0x3FDB];
	s0 =	simm.s32 @p2 $0x1  }
0x17: {  	s4 =	simm.s32 $0x1BF5;
	[smem:$0x3F81] =	sst s0  }
0x18: {  	s0 =	sld [smem:$0x3F64];
	_ =	swait.ge [sflag:s4], $0x0  }
0x19: {  	s7 =	sld [smem:$0x3F65]  }
0x1a: {  	s8 =	sadd.s32 $0xFFFFE003, lr  }
0x1b: {  	s9 =	sadd.s32 $0xFFFFFEF7, lr;
	s5 =	simm.s32 $0xFFFFFFFF;
	p2 =	slt.u32 s8, $0xFFFFF086  }
0x1c: {  	p1 =	slt.u32 s9, $0xF7A;
	s5 =	simm.s32 @!p2 $0x0  }
0x1d: {  	s5 =	simm.s32 @p1 $0x1;
	p0 =	seq.s32 s7, s2  }
0x1e: {  	s7 =	smul.u32 @!p0 $0xF7A, s2;
	p2 =	seq.s32 @!p0 s5, $0x0  }
0x1f: {  	s9 =	smul.u32 $0xF7A, s1;
	s8 =	simm.s32 @!p0 $0x1BF5;
	p2 =	por !p2, p0  }
0x20: {  	[sflag:s8] =	ssyncset.s32 @!p0 $0xFFFFF086;
	s6 =	sadd.s32 @!p0 s3, s7;
	s7 =	simm.s32 @!p0 $0x108  }
0x21: {  	s3 =	sadd.s32 s3, s9;
	s6 =	sadd.s32 @!p0 $0x88, s6;
	s7 =	simm.s32 @p2 $0x1082  }
0x22: {  	[simem:s7], [sflag:s8] =	dma.local @!p0 [hbm:s6], $0xF7A  }
0x23: {  	s9 =	sor.u32 $0xD0000000, s2;
	s6 =	simm.s32 $0x108;
	_ =	swait.ge @!p0 [sflag:s8], $0x0  }
0x24: {  	s3 =	sadd.s32 $0x88, s3;
	s6 =	simm.s32 @!p1 $0x1082;
	[sflag:s4] =	ssyncset.s32 $0xFFFFF086  }
0x25: {  	[simem:s6], [sflag:s4] =	dma.local [hbm:s3], $0xF7A  }
0x26: {  	[smem:$0x3F65] =	sst s1;
	(tag) =	ssettag s2;
	_ =	strace s9  }
0x27: {  	s1 =	sld [smem:$0x3F75]  }
0x28: {  	s2 =	sld [smem:$0x3F76]  }
0x29: {  	s4 =	sld [smem:$0x3F78]  }
0x2a: {  	p0 =	seq.s32 s5, $0x0;
	s5 =	sld [smem:$0x3F79]  }
0x2b: {  	s6 =	sld [smem:$0x3F7A]  }
0x2c: {  	s7 =	sld [smem:$0x3F7B]  }
0x2d: {  	s3 =	simm.s32 $0x108;
	s8 =	sld [smem:$0x3F7C]  }
0x2e: {  	s3 =	simm.s32 @!p0 $0x1082;
	s9 =	sld [smem:$0x3F7D]  }
0x2f: {  	lr =	sadd.s32 s0, s3;
	s0 =	sld [smem:$0x3F74]  }
0x30: {  	s3 =	sld [smem:$0x3F77]  }
0x31: {  	[smem:$0x3F80] =	sst s10  }
0x32: {  	s10 =	sld [smem:$0x3F7E];
	_ =	sdelay $0x3  }
0x33: {  	p0 =	seq.s32 s10, $0x1;
	s10 =	sld [smem:$0x3F80];
	_ =	sdelay $0x3  }
0x34: {  	[smem:$0x3F80] =	sst s10  }
0x35: {  	s10 =	sld [smem:$0x3F7F];
	_ =	sdelay $0x3  }
0x36: {  	p1 =	seq.s32 s10, $0x1;
	s10 =	sld [smem:$0x3F80];
	_ =	sdelay $0x3  }
0x37: {  	[smem:$0x3F80] =	sst s10  }
0x38: {  	s10 =	sld [smem:$0x3F81]  }
0x39: {  	_ = 	snop;
	(pc) =	sbr.ind lr, $3  }
0x3a: {  	_ = 	snop  }
0x3b: {  	_ = 	snop  }
0x3c: {  	p2 =	seq.s32 s10, $0x1;
	s10 =	sld [smem:$0x3F80]  }
0x3d: {  	_ =	shalt  }
0x3e: {  	_ =	shalt  }
0x3f: {  	_ =	shalt  }
0x40: {  	_ =	shalt  }
0x41: {  	_ =	shalt  }
0x42: {  	_ =	shalt  }
0x43: {  	_ =	shalt  }
0x44: {  	_ =	shalt  }
0x45: {  	_ =	shalt  }
0x46: {  	_ =	shalt  }
0x47: {  	_ =	shalt  }
0x48: {  	_ =	shalt  }
0x49: {  	_ =	shalt  }
0x4a: {  	_ =	shalt  }
0x4b: {  	_ =	shalt  }
0x4c: {  	_ =	shalt  }
0x4d: {  	_ =	shalt  }
0x4e: {  	_ =	shalt  }
0x4f: {  	_ =	shalt  }
0x50: {  	_ =	shalt  }
0x51: {  	_ =	shalt  }
0x52: {  	_ =	shalt  }
0x53: {  	_ =	shalt  }
0x54: {  	_ =	shalt  }
0x55: {  	_ =	shalt  }
0x56: {  	_ =	shalt  }
0x57: {  	_ =	shalt  }
0x58: {  	_ =	shalt  }
0x59: {  	_ =	shalt  }
0x5a: {  	_ =	shalt  }
0x5b: {  	_ =	shalt  }
0x5c: {  	_ =	shalt  }
0x5d: {  	_ =	shalt  }
0x5e: {  	_ =	shalt  }
0x5f: {  	_ =	shalt  }
0x60: {  	_ =	shalt  }
0x61: {  	_ =	shalt  }
0x62: {  	_ =	shalt  }
0x63: {  	_ =	shalt  }
0x64: {  	_ =	shalt  }
0x65: {  	_ =	shalt  }
0x66: {  	_ =	shalt  }
0x67: {  	_ =	shalt  }
0x68: {  	_ =	shalt  }
0x69: {  	_ =	shalt  }
0x6a: {  	_ =	shalt  }
0x6b: {  	_ =	shalt  }
0x6c: {  	_ =	shalt  }
0x6d: {  	_ =	shalt  }
0x6e: {  	_ =	shalt  }
0x6f: {  	_ =	shalt  }
0x70: {  	_ =	shalt  }
0x71: {  	_ =	shalt  }
0x72: {  	_ =	shalt  }
0x73: {  	_ =	shalt  }
0x74: {  	_ =	shalt  }
0x75: {  	_ =	shalt  }
0x76: {  	_ =	shalt  }
0x77: {  	_ =	shalt  }
0x78: {  	_ =	shalt  }
0x79: {  	_ =	shalt  }
0x7a: {  	_ =	shalt  }
0x7b: {  	_ =	shalt  }
0x7c: {  	_ =	shalt  }
0x7d: {  	_ =	shalt  }
0x7e: {  	_ =	shalt  }
0x7f: {  	_ =	shalt  }
0x80: {  	_ =	shalt  }
0x81: {  	_ =	shalt  }
0x82: {  	_ =	shalt  }
0x83: {  	_ =	shalt  }
0x84: {  	_ =	shalt  }
0x85: {  	_ =	shalt  }
0x86: {  	_ =	shalt  }
0x87: {  	_ =	shalt  }
.Lfunc_end0:
.L_simem_size_0:
called_computation_lowered:
.L_overlay_start_0:
0x88: {  	s2 =	sld [smem:$0x3FD9]  }
0x89: {  	s3 =	sld [smem:$0x3FFE];
	_ =	sdelay $0x1  }
0x8a: {  	s1 =	srdreg.scid  }
0x8b: {  	s0 =	sand.u32 $0x1, s1  }
0x8c: {  	s14 =	sshll.u32 s0, $0xA;
	s2 =	sadd.s32 s3, s2  }
0x8d: {  	s2 =	sadd.s32 s2, s14  }
0x8e: {  	[smem:$0x3F8C] =	sst s2  }
0x8f: {  	_ = 	snop  }
0x90: {  	s2 =	sld [smem:$0x3FD0];
	_ =	sdelay $0x2  }
0x91: {  	s15 =	simm.s32 $0xA;
	s4 =	simm.s32 $0x10  }
0x92: {  	[smem:s4], [sflag:s15] =	dma.local [hbm:s2], $0x1  }
0x93: {  	_ =	swait.eq [sflag:s15], $0x1  }
0x94: {  	[sflag:s15] =	ssyncset.done $0x0  }
0x95: {  	[sflag:s15] =	ssyncadd.s32 $0xFFFFFFFF  }
0x96: {  	s16 =	sld [smem:$0x10];
	(tm) =	ssettm $0x1  }
0x97: {  	s17 =	sld [smem:$0x3FFB];
	_ =	sdelay $0x3  }
0x98: {  	_ =	strace s17  }
0x99: {  	s3 =	sld [smem:$0x3FFC];
	_ =	sdelay $0x3  }
0x9a: {  	_ =	strace s3  }
0x9b: {  	s3 =	sld [smem:$0x3FFD];
	_ =	sdelay $0x3  }
0x9c: {  	_ =	strace s3  }
0x9d: {  	_ =	strace $0x8FFFFFFF  }
0x9e: {  	s18 =	sld [smem:$0x3FDB];
	_ =	sdelay $0x1  }
0x9f: {  	s19 =	simm.s32 $_scs_section_size  }
0xa0: {  	s5 =	simm.s32 $_size__tile_overlayer_lowered;
	s6 =	simm.s32 $_tile_overlayer_lowered  }
0xa1: {  	s22 =	simm.s32 $0x1BFF;
	s21 =	sshll.u32 s6, $0x1;
	s3 =	sadd.s32 s19, s18  }
0xa2: {  	s7 =	simm.s32 $0x0;
	s20 =	sshll.u32 s5, $0x1;
	s5 =	sadd.s32 s21, s3  }
0xa3: {  	[timem:s7], [sflag:s22] =	dma.local [hbm:s5], s20  }
0xa4: {  	_ =	swait.ge [sflag:s22], s20  }
0xa5: {  	s4 =	ssub.s32 $0x0, s20;
	[sflag:s22] =	ssyncset.done $0x0  }
0xa6: {  	[sflag:s22] =	ssyncadd.s32 s4;
	_ =	sdelay $0x1  }
0xa7: {  	s23 =	simm.s32 $0x1B8B  }
0xa8: {  	_ =	swait.ge [sflag:s23], $0x1  }
0xa9: {  	[sflag:s23] =	ssyncset.done $0x0  }
0xaa: {  	s25 =	simm.s32 $0x1B8E;
	s24 =	sld [smem:$0x3FFE];
	[sflag:s23] =	ssyncadd.s32 $0xFFFFFFFF  }
0xab: {  	s26 =	simm.s32 $execute0_lowered;
	[smem:$0x3FD2] =	sst s25  }
0xac: {  	s5 =	sshll.u32 s26, $0x1;
	_ =	strace $0x80000046;
	[dreg:$0x1] =	wrdreg $0xFFFFFFFF  }
0xad: {  	s28 =	simm.s32 $_size_execute0_lowered;
	s3 =	sadd.s32 s3, s5;
	[dreg:$0x0] =	wrdreg $0x0  }
0xae: {  	s5 =	sshll.u32 s28, $0x1;
	[dreg:$0x2] =	wrdreg s3  }
0xaf: {  	[dreg:$0x3] =	wrdreg s5  }
0xb0: {  	[dreg:$0x4] =	wrdreg $0xC0  }
0xb1: {  	_ =	task [dreg:s7], $0x5FFFF  }
0xb2: {  	[dreg:$0x1] =	wrdreg $0xFFFFFFFF  }
0xb3: {  	[dreg:$0x0] =	wrdreg $0x60  }
0xb4: {  	[dreg:$0x2] =	wrdreg s24  }
0xb5: {  	[dreg:$0x3] =	wrdreg s16  }
0xb6: {  	[dreg:$0x4] =	wrdreg $0xA2000  }
0xb7: {  	[dreg:$0x5] =	wrdreg $0x1DA800  }
0xb8: {  	[dreg:$0x6] =	wrdreg $0x9  }
0xb9: {  	_ =	task.clear_ibuf [dreg:s7], $0x7FFFF;
	_ =	strace $0x90000046  }
0xba: {  	s29 =	simm.s32 $0x9;
	_ =	strace $0x80000048  }
0xbb: {  	_ =	swait.ge [sflag:s29], $0x1  }
0xbc: {  	[sflag:s29] =	ssyncadd.s32 $0xFFFFFFFF  }
0xbd: {  	_ =	strace $0x90000048  }
0xbe: {  	_ =	sfence  }
0xbf: {  	s30 =	sld [smem:$0x0];
	_ =	sdelay $0x2  }
0xc0: {  	s31 =	sshll.u32 s1, $0xD;
	s1 =	sshrl.u32 s1, $0x2  }
0xc1: {  	s3 =	sand.u32 $0x4000, s31;
	s1 =	sadd.s32 s1, s30  }
0xc2: {  	s0 =	sor.u32 s3, s0;
	s1 =	sshll.u32 s1, $0x11  }
0xc3: {  	s0 =	sor.u32 s1, s0  }
0xc4: {  	s0 =	sadd.s32 $0x8F2B, s0  }
0xc5: {  	[sflag:s0] =	ssyncadd.remote.s32 $0x1  }
0xc6: {  	_ =	sfence.sel $0xFFFF  }
0xc7: {  	[dreg:$0x0] =	wrdreg $0xFFFFFFFF;
	(pc) =	sbr.abs _section_cstart, $3  }
0xc8: {  	[dreg:$0x1] =	wrdreg $0xFFFFFFFF  }
0xc9: {  	_ =	task.clear_ibuf [dreg:s7], $0x2FFFF;
	_ =	strace $0x9FFFFFFF  }
0xca: {  	(tm) =	ssettm $0x7FFFFFFF  }
0xcb: {  	_ =	shalt  }
tec
execute0_lowered:
.L_overlay_start_1:
0x0: {  	(tag) =	ssettag $0x1  }
0x1: {  	s0 =	rddreg [dreg:$0x0]  }
0x2: {  	s1 =	rddreg [dreg:$0x1]  }
0x3: {  	s2 =	rddreg [dreg:$0x2]  }
0x4: {  	s3 =	rddreg [dreg:$0x3];
	s4 =	simm.s32 $0x0  }
0x5: {  	s8 =	srdreg.scid;
	s28 =	simm.s32 $0x200;
	s29 =	simm.s32 $0x2A00  }
0x6: {  	s30 =	simm.s32 $0x5200;
	s31 =	simm.s32 $0x1;
	[smem:$0x7FF] =	sst s4  }
0x7: {  	s5 =	sadd.s32 $0x2FE00, s0;
	s6 =	sadd.s32 $0x8C00, s0;
	s10 =	sand.u32 $0x1, s8  }
0x8: {  	s7 =	sadd.s32 $0x60E00, s0;
	s8 =	stileid.u32;
	s11 =	smul.u32 $0x500, s10  }
0x9: {  	s9 =	sadd.s32 $0x57000, s0;
	s20 =	sadd.s32 $0x6AC00, s0;
	s13 =	smul.u32 $0x4F000, s8  }
0xa: {  	s12 =	sadd.s32 $0x91E00, s0;
	s23 =	sadd.s32 $0x128400, s2;
	s15 =	smul.u32 $0x2780, s8  }
0xb: {  	_ =	strace $0x80000047;
	s14 =	ssub.s32 $0x2, s10;
	s18 =	smul.u32 $0x138800, s10  }
0xc: {  	s17 =	sshll.u32 s8, $0x1;
	s19 =	smul.u32 $0x13C00, s8;
	p0 =	sne.s32 s8, $0xF  }
0xd: {  	v0 =	vimm.s32 $0xFEDCBA98;
	v1 =	vimm.s32 $0x76543210;
	[dreg:$0x5] =	wrdreg s20;
	p3 =	seq.s32 s8, $0xF;
	s16 =	sshrl.u32 s14, $0x1  }
0xe: {  	v3 =	vimm.s32 $0xBA98FEDC;
	v4 =	vimm.s32 $0x32107654;
	v5 =	vimm.s32 $0xDCFE98BA;
	s10 =	sor.u32 s10, s17;
	p2 =	sne.s32 @p0 s8, $0x0;
	s17 =	smov.u32 s23  }
0xf: {  	v6 =	vimm.s32 $0x54761032;
	v7 =	vimm.s32 $0xEFCDAB89;
	v8 =	vimm.s32 $0x67452301;
	s23 =	sshrl.u32 @!p0 s23, $0x3;
	s11 =	sadd.s32 s11, s0;
	s26 =	sshrl.u32 s13, $0x2  }
0x10: {  	v0 =	vunpack.c.l.s4.s8 v0;
	v1 =	vunpack.c.l.s4.s8 v1;
	v3 =	vunpack.c.l.s4.s8 v3;
	s0 =	sadd.s32 $0x8FC80, s0;
	s13 =	smul.u32 $0x2710, s10;
	s21 =	ssub.s32 s14, s16  }
0x11: {  	v4 =	vunpack.c.l.s4.s8 v4;
	v5 =	vunpack.c.l.s4.s8 v5;
	v6 =	vunpack.c.l.s4.s8 v6;
	s22 =	sadd.s32 s19, s18;
	s24 =	sshrl.u32 s18, $0x3;
	s15 =	sadd.s32 s20, s15  }
0x12: {  	v7 =	vunpack.c.l.s4.s8 v7;
	v8 =	vunpack.c.l.s4.s8 v8;
	v2 =	vunpack.c.0.s8.s32 v0;
	p1 =	por p2, !p0;
	p2 =	por !p2, !p0;
	[dreg:$0x6] =	wrdreg s0  }
0x13: {  	v0 =	vimm.s32 $0x0;
	v1 =	vunpack.c.0.s8.s32 v1;
	v3 =	vunpack.c.0.s8.s32 v3;
	s14 =	sadd.s32 s26, s2;
	s10 =	sshrl.u32 s22, $0x3;
	[dreg:$0x7] =	wrdreg s15  }
0x14: {  	v4 =	vunpack.c.0.s8.s32 v4;
	v5 =	vunpack.c.0.s8.s32 v5;
	v6 =	vunpack.c.0.s8.s32 v6;
	s25 =	sadd.s32 s12, s24;
	s26 =	sadd.s32 $0xE0000, s11;
	s19 =	smax.u32 s21, $0x1  }
0x15: {  	v7 =	vunpack.c.0.s8.s32 v7;
	v8 =	vunpack.c.0.s8.s32 v8;
	v2 =	vand.u32 $0xF, v2;
	s0 =	sshll.u32 @p0 s8, $0x6;
	s22 =	sshrl.u32 @!p1 s3, $0x3;
	s24 =	simm.s32 $0x2  }
0x16: {  	s10 =	sadd.s32 s12, s10;
	[dreg:$0xa] =	wrdreg s26;
	s20 =	sor.u32 @p0 $0x1C02, s0;
	v1 =	vcombine.low v2, v1;
	v2 =	vcombine.low v4, v3;
	v3 =	vlaneseq.u32  }
0x17: {  	s18 =	smov.u32 s14;
	s21 =	sshrl.u32 @p0 s14, $0x3;
	v4 =	vcombine.low v6, v5;
	v5 =	vcombine.low v8, v7;
	s26 =	simm.s32 $0x50;
	v6 =	vor.u32 $0x10, v3  }
0x18: {  	s0 =	simm.s32 $0x7A00;
	[dreg:$0x8] =	wrdreg s10;
	s10 =	sadd.s32 $0x25080, s25;
	v7 =	vor.u32 $0x20, v3;
	v8 =	vor.u32 $0x30, v3;
	v9 =	vor.u32 $0x40, v3  }
0x19: {  	s25 =	simm.s32 $0x80;
	v10 =	vor.u32 $0x50, v3;
	v11 =	vor.u32 $0x60, v3;
	v12 =	vor.u32 $0x70, v3;
	[dreg:$0x9] =	wrdreg s10;
	s10 =	simm.s32 $0x180  }
.LBB2_1:
0x1a: {  	s11 =	rddreg [dreg:$0x7]  }
0x1b: {  	[spmem:s21], [sflag:s20] =	dma.local @p0 [hbm:s11], $0x2780  }
0x1c: {  	s11 =	simm.s32 @p0 $0x2  }
0x1d: {  	_ =	swait.ge @p0 [sflag:s11], $0x2780  }
0x1e: {  	[sflag:s11] =	ssyncset.done @p0 $0x0  }
0x1f: {  	s12 =	rddreg [dreg:$0x5];
	[sflag:s11] =	ssyncadd.s32 @p0 $0xFFFFD880;
	s11 =	simm.s32 @!p1 $0x1C02  }
0x20: {  	[spmem:s22], [sflag:s11] =	dma.local @!p1 [hbm:s12], $0x500  }
0x21: {  	s11 =	simm.s32 @!p1 $0x2  }
0x22: {  	_ =	swait.ge @!p1 [sflag:s11], $0x500  }
0x23: {  	[sflag:s11] =	ssyncset.done @!p1 $0x0  }
0x24: {  	s12 =	rddreg [dreg:$0x6];
	[sflag:s11] =	ssyncadd.s32 @!p1 $0xFFFFFB00;
	s11 =	simm.s32 @!p0 $0x1FC2  }
0x25: {  	[spmem:s23], [sflag:s11] =	dma.local @!p0 [hbm:s12], $0x2080  }
0x26: {  	s11 =	simm.s32 @!p0 $0x2  }
0x27: {  	_ =	swait.ge @!p0 [sflag:s11], $0x2080  }
0x28: {  	[sflag:s11] =	ssyncset.done @!p0 $0x0  }
0x29: {  	p5 =	por @p0 $0x0, $0x0;
	p4 =	por @!p1 $0x1, $0x1;
	[sflag:s11] =	ssyncadd.s32 @!p0 $0xFFFFDF80  }
0x2a: {  	p4 =	por @!p2 p5, p5;
	p5 =	por @!p0 $0x0, $0x0;
	[tilespmem:$0x150] =	vst v0  }
0x2b: {  	p4 =	por @!p0 p5, p5;
	s12 =	simm.s32 $0x0;
	[bflag:$0x0] =	sbarrier.arrive $0xFFFF  }
.LBB2_2:
0x2c: {  	s11 =	smul.u32 $0x50, s12;
	_ =	sdelay $0x1  }
0x2d: {  	s11 =	sadd.s32 s13, s11  }
0x2e: {  	s11 =	sshrl.u32 s11, $0x3  }
0x2f: {  	s16 =	simm.s32 $0x0;
	s15 =	sadd.s32 s7, s11  }
0x30: {  	[tilespmem:s16], [sflag:$0x2] =	stream.linear.gather [hbm4b:s15+s16], $0x50, $0x38;
	[tilespmem:$0x1DD00] =	vst v63  }
0x31: {  	_ =	swait.ge [sflag:s24], $0x50  }
0x32: {  	[sflag:s24] =	ssyncset.done $0x0  }
0x33: {  	s11 =	sadd.s32 s9, s11;
	[sflag:s24] =	ssyncadd.s32 $0xFFFFFFB0  }
0x34: {  	[tilespmem:s25], [sflag:$0x2] =	stream.linear.gather [hbm4b:s11+s16], $0x50, $0x38;
	[tilespmem:$0x1DD00] =	vst v63  }
0x35: {  	_ =	swait.ge [sflag:s24], $0x50  }
0x36: {  	[sflag:s24] =	ssyncset.done $0x0  }
0x37: {  	[sflag:s24] =	ssyncadd.s32 $0xFFFFFFB0  }
0x38: {  	[tilespmem:s28], [sflag:$0x1] =	stream.indirect.gather [hbm4b:s5+s26], $0x80, s25, s26, $0xb8;
	[tilespmem:$0x1DD00] =	vst v63  }
0x39: {  	_ = 	snop  }
0x3a: {  	[tilespmem:s29], [sflag:$0x1] =	stream.indirect.gather [hbm4b:s6+s26], $0x80, s16, s26, $0xb8;
	[tilespmem:$0x1DD00] =	vst v63  }
0x3b: {  	_ = 	snop  }
0x3c: {  	[tilespmem:s30], [sflag:$0x1] =	stream.indirect.gather [hbm4b:s1+s26], $0x80, s16, s26, $0xb8;
	[tilespmem:$0x1DD00] =	vst v63  }
0x3d: {  	v13 =	vld [tilespmem:$0x80]  }
0x3e: {  	v14 =	vld [tilespmem:$0x90];
	_ =	sdelay $0x3  }
0x3f: {  	v15 =	vld [tilespmem:$0xA0];
	[tilespmem:$0x100] =	vst v13  }
0x40: {  	v13 =	vshrl.u32 v13, $0x7;
	[tilespmem:$0x110] =	vst v14  }
0x41: {  	v14 =	vshrl.u32 v14, $0x7;
	[tilespmem:$0x180] =	vst v13;
	v13 =	vld [tilespmem:$0xB0]  }
0x42: {  	[tilespmem:$0x190] =	vst v14;
	v14 =	vld [tilespmem:$0xC0];
	_ =	sdelay $0x1  }
0x43: {  	[tilespmem:$0x120] =	vst v15;
	v15 =	vshrl.u32 v15, $0x7  }
0x44: {  	[tilespmem:$0x1A0] =	vst v15  }
0x45: {  	[tilespmem:$0x130] =	vst v13  }
0x46: {  	v13 =	vshrl.u32 v13, $0x7;
	[tilespmem:$0x140] =	vst v14  }
0x47: {  	[tilespmem:$0x1B0] =	vst v13;
	v13 =	vshrl.u32 v14, $0x7  }
0x48: {  	[tilespmem:$0x1C0] =	vst v13  }
0x49: {  	_ =	swait.ge [sflag:s31], $0x2800  }
0x4a: {  	[sflag:s31] =	ssyncset.done $0x0  }
0x4b: {  	[sflag:s31] =	ssyncadd.s32 $0xFFFFD800  }
0x4c: {  	_ =	swait.ge [sflag:s31], $0x2800  }
0x4d: {  	[sflag:s31] =	ssyncset.done $0x0  }
0x4e: {  	[sflag:s31] =	ssyncadd.s32 $0xFFFFD800  }
0x4f: {  	_ =	swait.ge [sflag:s31], $0x2800  }
0x50: {  	[sflag:s31] =	ssyncset.done $0x0  }
0x51: {  	s11 =	simm.s32 $0x0;
	[sflag:s31] =	ssyncadd.s32 $0xFFFFD800  }
0x52: {  	v13 =	vld [tilespmem:s11+$0x2A00]  }
0x53: {  	v14 =	vld [tilespmem:s11+$0x210]  }
0x54: {  	v15 =	vld [tilespmem:s11+$0x2A10]  }
0x55: {  	v16 =	vld [tilespmem:s11+$0x200]  }
0x56: {  	v17 =	vld [tilespmem:s11+$0x220]  }
0x57: {  	v18 =	vld [tilespmem:s11+$0x2A20]  }
0x58: {  	v19 =	vld [tilespmem:s11+$0x230]  }
0x59: {  	v20 =	vld [tilespmem:s11+$0x2A30]  }
0x5a: {  	v13 =	vmul.f32 v13, v16;
	v14 =	vmul.f32 v15, v14;
	v15 =	vld [tilespmem:s11+$0x240]  }
0x5b: {  	v16 =	vld [tilespmem:s11+$0x2A40]  }
0x5c: {  	v13 =	vadd.f32 v14, v13;
	v14 =	vmul.f32 v18, v17;
	v17 =	vld [tilespmem:s11+$0x250]  }
0x5d: {  	v18 =	vld [tilespmem:s11+$0x2A50]  }
0x5e: {  	v13 =	vadd.f32 v14, v13;
	v14 =	vmul.f32 v20, v19;
	v19 =	vld [tilespmem:s11+$0x260]  }
0x5f: {  	v20 =	vld [tilespmem:s11+$0x2A60]  }
0x60: {  	v13 =	vadd.f32 v14, v13;
	v14 =	vmul.f32 v16, v15;
	v15 =	vld [tilespmem:s11+$0x270]  }
0x61: {  	v16 =	vld [tilespmem:s11+$0x2A70]  }
0x62: {  	v13 =	vadd.f32 v14, v13;
	v14 =	vmul.f32 v18, v17;
	_ =	sdelay $0x1  }
0x63: {  	v13 =	vadd.f32 v14, v13;
	v14 =	vmul.f32 v20, v19;
	_ =	sdelay $0x1  }
0x64: {  	v13 =	vadd.f32 v14, v13;
	v14 =	vmul.f32 v16, v15;
	_ =	sdelay $0x1  }
0x65: {  	v13 =	vadd.f32 v14, v13;
	_ =	sdelay $0x1  }
0x66: {  	v14 =	vperm.xlane v13, v1;
	_ =	sdelay $0x1  }
0x67: {  	v13 =	vadd.f32 v13, v14;
	_ =	sdelay $0x1  }
0x68: {  	v14 =	vperm.xlane v13, v2;
	_ =	sdelay $0x1  }
0x69: {  	v13 =	vadd.f32 v13, v14;
	_ =	sdelay $0x1  }
0x6a: {  	v14 =	vperm.xlane v13, v4;
	_ =	sdelay $0x1  }
0x6b: {  	v13 =	vadd.f32 v13, v14;
	_ =	sdelay $0x1  }
0x6c: {  	v14 =	vperm.xlane v13, v5;
	_ =	sdelay $0x1  }
0x6d: {  	v13 =	vadd.f32 v13, v14;
	_ =	sdelay $0x1  }
0x6e: {  	v13 =	vmul.f32 $8.838834610e-02, v13;
	_ =	sdelay $0x1  }
0x6f: {  	v21 =	vmul.f32 $1.442695020e+00, v13;
	_ =	sdelay $0x1  }
0x70: {  	v17 =	vld [tilespmem:s11+$0x5220];
	(erf) = vpow2.f32 v21  }
0x71: {  	v18 =	vld [tilespmem:s11+$0x5230]  }
0x72: {  	v19 =	vld [tilespmem:s11+$0x5200]  }
0x73: {  	v20 =	vld [tilespmem:s11+$0x5210]  }
0x74: {  	v15 =	vld [tilespmem:s11+$0x5240]  }
0x75: {  	v16 =	vld [tilespmem:s11+$0x5250]  }
0x76: {  	v14 =	vld [tilespmem:s11+$0x5260]  }
0x77: {  	s15 =	simm.s32 $0x80;
	v13 =	vld [tilespmem:s11+$0x5270]  }
0x78: {  	s16 =	simm.s32 $0x400;
	v21 =	vld [tilespmem:s15+$0x2A00]  }
.LBB2_3:
0x79: {  	p5 =	sne.s32 s16, $0x9E00;
	v22 =	vld [tilespmem:s15+$0x210];
	v23 =	vpop (erf)  }
0x7a: {  	v24 =	vld [tilespmem:s15+$0x2A10];
	v19 =	vmul.f32 v23, v19;
	v20 =	vmul.f32 v23, v20;
	[tilespmem:s11+$0x200] =	vst v23  }
0x7b: {  	v17 =	vmul.f32 v23, v17;
	v18 =	vmul.f32 v18, v23;
	v25 =	vld [tilespmem:s15+$0x200]  }
0x7c: {  	v15 =	vmul.f32 v15, v23;
	v16 =	vmul.f32 v16, v23;
	v26 =	vld [tilespmem:s15+$0x220];
	[tilespmem:s11+$0x7A00] =	vst v19  }
0x7d: {  	v14 =	vmul.f32 v14, v23;
	v13 =	vmul.f32 v13, v23;
	v19 =	vld [tilespmem:s15+$0x2A20];
	[tilespmem:s11+$0x7A10] =	vst v20  }
0x7e: {  	v20 =	vld [tilespmem:s15+$0x230];
	[tilespmem:s11+$0x7A20] =	vst v17  }
0x7f: {  	v17 =	vld [tilespmem:s15+$0x2A30];
	[tilespmem:s11+$0x7A30] =	vst v18  }
0x80: {  	v18 =	vmul.f32 v21, v25;
	v21 =	vmul.f32 v24, v22;
	v22 =	vld [tilespmem:s15+$0x240];
	[tilespmem:s11+$0x7A40] =	vst v15  }
0x81: {  	v15 =	vld [tilespmem:s15+$0x2A40];
	[tilespmem:s11+$0x7A50] =	vst v16  }
0x82: {  	v16 =	vadd.f32 v21, v18;
	v18 =	vmul.f32 v19, v26;
	v19 =	vld [tilespmem:s15+$0x250];
	[tilespmem:s11+$0x7A60] =	vst v14  }
0x83: {  	v14 =	vld [tilespmem:s15+$0x2A50];
	[tilespmem:s11+$0x7A70] =	vst v13;
	s11 =	smov.u32 s15  }
0x84: {  	v13 =	vadd.f32 v18, v16;
	v16 =	vmul.f32 v17, v20;
	v17 =	vld [tilespmem:s11+$0x260]  }
0x85: {  	v18 =	vld [tilespmem:s11+$0x2A60]  }
0x86: {  	v13 =	vadd.f32 v16, v13;
	v15 =	vmul.f32 v15, v22;
	v16 =	vld [tilespmem:s11+$0x270]  }
0x87: {  	v21 =	vld [tilespmem:s11+$0x2A70]  }
0x88: {  	v13 =	vadd.f32 v15, v13;
	v14 =	vmul.f32 v14, v19;
	v19 =	vld [tilespmem:s11+$0x5200]  }
0x89: {  	v20 =	vld [tilespmem:s11+$0x5210]  }
0x8a: {  	v13 =	vadd.f32 v14, v13;
	v14 =	vmul.f32 v18, v17;
	v17 =	vld [tilespmem:s11+$0x5220]  }
0x8b: {  	v18 =	vld [tilespmem:s11+$0x5230]  }
0x8c: {  	v13 =	vadd.f32 v14, v13;
	v14 =	vmul.f32 v21, v16;
	v15 =	vld [tilespmem:s11+$0x5240]  }
0x8d: {  	v16 =	vld [tilespmem:s11+$0x5250]  }
0x8e: {  	v21 =	vadd.f32 v14, v13;
	v14 =	vld [tilespmem:s11+$0x5260]  }
0x8f: {  	v13 =	vld [tilespmem:s11+$0x5270]  }
0x90: {  	v22 =	vperm.xlane v21, v1;
	_ =	sdelay $0x1  }
0x91: {  	v21 =	vadd.f32 v21, v22;
	_ =	sdelay $0x1  }
0x92: {  	v22 =	vperm.xlane v21, v2;
	_ =	sdelay $0x1  }
0x93: {  	v21 =	vadd.f32 v21, v22;
	_ =	sdelay $0x1  }
0x94: {  	v22 =	vperm.xlane v21, v4;
	_ =	sdelay $0x1  }
0x95: {  	v21 =	vadd.f32 v21, v22;
	_ =	sdelay $0x1  }
0x96: {  	v22 =	vperm.xlane v21, v5;
	_ =	sdelay $0x1  }
0x97: {  	v21 =	vadd.f32 v21, v22;
	_ =	sdelay $0x1  }
0x98: {  	v21 =	vmul.f32 $8.838834610e-02, v21;
	_ =	sdelay $0x1  }
0x99: {  	v21 =	vmul.f32 $1.442695020e+00, v21;
	_ =	sdelay $0x1  }
0x9a: {  	(erf) = vpow2.f32 v21;
	_ =	sdelay $0x3  }
.Ltmp0:
0x9b: {  	(pc) =	sbr.rel @p5 .LBB2_3-.Ltmp0, $3  }
0x9c: {  	_ =	sdelay $0x1  }
0x9d: {  	s15 =	sshra.s32 s16, $0x2  }
0x9e: {  	s16 =	sadd.s32 $0x200, s16;
	v21 =	vld [tilespmem:s15+$0x2A00]  }
0x9f: {  	v22 =	vld [tilespmem:s15+$0x210];
	v23 =	vpop (erf)  }
0xa0: {  	v24 =	vld [tilespmem:s15+$0x2A10];
	[tilespmem:s11+$0x200] =	vst v23;
	v19 =	vmul.f32 v23, v19  }
0xa1: {  	v20 =	vmul.f32 v23, v20;
	v25 =	vld [tilespmem:s15+$0x200]  }
0xa2: {  	v17 =	vmul.f32 v23, v17;
	v26 =	vld [tilespmem:s15+$0x220];
	[tilespmem:s11+$0x7A00] =	vst v19  }
0xa3: {  	v18 =	vmul.f32 v18, v23;
	v19 =	vld [tilespmem:s15+$0x2A20];
	[tilespmem:s11+$0x7A10] =	vst v20  }
0xa4: {  	v15 =	vmul.f32 v15, v23;
	v20 =	vld [tilespmem:s15+$0x230];
	[tilespmem:s11+$0x7A20] =	vst v17  }
0xa5: {  	v16 =	vmul.f32 v16, v23;
	v17 =	vld [tilespmem:s15+$0x2A30];
	[tilespmem:s11+$0x7A30] =	vst v18  }
0xa6: {  	v14 =	vmul.f32 v14, v23;
	v18 =	vld [tilespmem:s15+$0x240];
	[tilespmem:s11+$0x7A40] =	vst v15  }
0xa7: {  	v60 =	vmul.f32 v24, v22;
	v15 =	vld [tilespmem:s15+$0x2A40];
	[tilespmem:s11+$0x7A50] =	vst v16;
	v16 =	vmul.f32 v21, v25  }
0xa8: {  	v13 =	vmul.f32 v13, v23  }
0xa9: {  	v61 =	vld [tilespmem:s15+$0x250];
	[tilespmem:s11+$0x7A60] =	vst v14;
	v14 =	vadd.f32 v60, v16;
	v16 =	vmul.f32 v19, v26  }
0xaa: {  	v19 =	vld [tilespmem:s15+$0x2A50];
	[tilespmem:s11+$0x7A70] =	vst v13  }
0xab: {  	v13 =	vadd.f32 v16, v14;
	v14 =	vmul.f32 v17, v20;
	v16 =	vld [tilespmem:s15+$0x260]  }
0xac: {  	v17 =	vld [tilespmem:s15+$0x2A60]  }
0xad: {  	v13 =	vadd.f32 v14, v13;
	v14 =	vmul.f32 v15, v18;
	v15 =	vld [tilespmem:s15+$0x270]  }
0xae: {  	v18 =	vld [tilespmem:s15+$0x2A70]  }
0xaf: {  	v13 =	vadd.f32 v14, v13;
	v14 =	vmul.f32 v19, v61;
	_ =	sdelay $0x1  }
0xb0: {  	v13 =	vadd.f32 v14, v13;
	v14 =	vmul.f32 v17, v16;
	_ =	sdelay $0x1  }
0xb1: {  	v13 =	vadd.f32 v14, v13;
	v14 =	vmul.f32 v18, v15;
	_ =	sdelay $0x1  }
0xb2: {  	v13 =	vadd.f32 v14, v13;
	_ =	sdelay $0x1  }
0xb3: {  	v14 =	vperm.xlane v13, v1;
	_ =	sdelay $0x1  }
0xb4: {  	v13 =	vadd.f32 v13, v14;
	_ =	sdelay $0x1  }
0xb5: {  	v14 =	vperm.xlane v13, v2;
	_ =	sdelay $0x1  }
0xb6: {  	v13 =	vadd.f32 v13, v14;
	_ =	sdelay $0x1  }
0xb7: {  	v14 =	vperm.xlane v13, v4;
	_ =	sdelay $0x1  }
0xb8: {  	v13 =	vadd.f32 v13, v14;
	_ =	sdelay $0x1  }
0xb9: {  	v14 =	vperm.xlane v13, v5;
	_ =	sdelay $0x1  }
0xba: {  	v13 =	vadd.f32 v13, v14;
	_ =	sdelay $0x1  }
0xbb: {  	v13 =	vmul.f32 $8.838834610e-02, v13;
	_ =	sdelay $0x1  }
0xbc: {  	v13 =	vmul.f32 $1.442695020e+00, v13;
	_ =	sdelay $0x1  }
0xbd: {  	(erf) = vpow2.f32 v13;
	_ =	sdelay $0x4  }
0xbe: {  	v13 =	vld [tilespmem:s15+$0x5200]  }
0xbf: {  	v14 =	vld [tilespmem:s15+$0x5210]  }
0xc0: {  	v15 =	vld [tilespmem:s15+$0x5220]  }
0xc1: {  	v16 =	vld [tilespmem:s15+$0x5230]  }
0xc2: {  	v17 =	vld [tilespmem:s15+$0x5240];
	v62 =	vpop (erf)  }
0xc3: {  	v18 =	vld [tilespmem:s15+$0x5250];
	v13 =	vmul.f32 v62, v13  }
0xc4: {  	v19 =	vld [tilespmem:s15+$0x5260];
	v14 =	vmul.f32 v62, v14;
	[tilespmem:s15+$0x200] =	vst v62  }
0xc5: {  	v63 =	vld [tilespmem:s15+$0x5270];
	v15 =	vmul.f32 v62, v15;
	[tilespmem:s15+$0x7A00] =	vst v13  }
0xc6: {  	v13 =	vmul.f32 v16, v62;
	[tilespmem:s15+$0x7A10] =	vst v14  }
0xc7: {  	v14 =	vmul.f32 v17, v62;
	[tilespmem:s15+$0x7A20] =	vst v15  }
0xc8: {  	v15 =	vmul.f32 v18, v62;
	[tilespmem:s15+$0x7A30] =	vst v13  }
0xc9: {  	v13 =	vmul.f32 v19, v62;
	[tilespmem:s15+$0x7A40] =	vst v14  }
0xca: {  	v14 =	vmul.f32 v63, v62;
	[tilespmem:s15+$0x7A50] =	vst v15  }
0xcb: {  	[tilespmem:s15+$0x7A60] =	vst v13  }
0xcc: {  	s16 =	simm.s32 $0x0;
	[tilespmem:s15+$0x7A70] =	vst v14  }
0xcd: {  	[spmem:s2] =	stream.indirect.scatter.add.f32 [tilespmem:s0], [sflag:$0x1], $0x80, s25, s26, $0xb8;
	[tilespmem:$0x1DD00] =	vst v63  }
0xce: {  	v14 =	vld [tilespmem:s16+$0x100];
	_ =	sdelay $0x2  }
0xcf: {  	s11 =	simm.s32 $0x200  }
0xd0: {  	v13 =	vld [tilespmem:s11+$0x0]  }
0xd1: {  	v14 =	vperm.xlane v14, v0;
	_ =	sdelay $0x1  }
0xd2: {  	v14 =	vand.u32 $0x7F, v14  }
0xd3: {  	vm1 =	veq.s32 v14, v3;
	vm2 =	veq.s32 v14, v6;
	vm0 =	veq.s32 v14, v12  }
0xd4: {  	s15 =	simm.s32 $0x4;
	s16 =	simm.s32 $0x200;
	v16 =	vnsel vm1, $0x0, v13;
	v15 =	vnsel vm2, $0x0, v13;
	vm1 =	veq.s32 v14, v8  }
.LBB2_5:
0xd5: {  	p5 =	sne.s32 s15, $0x13C  }
0xd6: {  	[tilespmem:s11+$0x0] =	vst v16;
	v16 =	vnsel vm1, $0x0, v13;
	vm1 =	veq.s32 v14, v11;
	v17 =	vnsel vm0, $0x0, v13;
	s16 =	sadd.s32 $0x80, s16;
	s14 =	smov.u32 s15;
	s15 =	sadd.s32 $0x4, s15  }
0xd7: {  	vm0 =	veq.s32 v14, v7;
	vm2 =	veq.s32 v14, v9;
	vm3 =	veq.s32 v14, v10;
	[tilespmem:s11+$0x10] =	vst v15  }
0xd8: {  	v14 =	vnsel vm0, $0x0, v13;
	v15 =	vnsel vm2, $0x0, v13;
	[tilespmem:s11+$0x30] =	vst v16;
	v16 =	vnsel vm3, $0x0, v13  }
0xd9: {  	v13 =	vnsel vm1, $0x0, v13;
	[tilespmem:s11+$0x50] =	vst v16  }
0xda: {  	[tilespmem:s11+$0x70] =	vst v17  }
0xdb: {  	[tilespmem:s11+$0x60] =	vst v13  }
0xdc: {  	[tilespmem:s11+$0x40] =	vst v15  }
0xdd: {  	s14 =	sshra.s32 s14, $0x2;
	[tilespmem:s11+$0x20] =	vst v14;
	s11 =	smov.u32 s16  }
0xde: {  	v14 =	vld [tilespmem:s14+$0x100];
	_ =	sdelay $0x3  }
0xdf: {  	v13 =	vld [tilespmem:s16+$0x0]  }
.Ltmp1:
0xe0: {  	v14 =	vperm.xlane v14, v0;
	(pc) =	sbr.rel @p5 .LBB2_5-.Ltmp1, $4  }
0xe1: {  	_ = 	snop  }
0xe2: {  	v14 =	vand.u32 $0x7F, v14  }
0xe3: {  	vm1 =	veq.s32 v14, v3;
	vm2 =	veq.s32 v14, v6;
	vm0 =	veq.s32 v14, v12  }
0xe4: {  	v16 =	vnsel vm1, $0x0, v13;
	v15 =	vnsel vm2, $0x0, v13;
	vm1 =	veq.s32 v14, v8  }
0xe5: {  	[tilespmem:s11+$0x0] =	vst v16  }
0xe6: {  	v62 =	vnsel vm1, $0x0, v13;
	[tilespmem:s11+$0x10] =	vst v15  }
0xe7: {  	vm12 =	veq.s32 v14, v10;
	v63 =	vnsel vm0, $0x0, v13;
	[tilespmem:s11+$0x30] =	vst v62  }
0xe8: {  	vm14 =	veq.s32 v14, v9;
	v15 =	vnsel vm12, $0x0, v13;
	[tilespmem:s11+$0x70] =	vst v63  }
0xe9: {  	vm13 =	veq.s32 v14, v11;
	vm15 =	veq.s32 v14, v7;
	v14 =	vnsel vm14, $0x0, v13;
	[tilespmem:s11+$0x50] =	vst v15  }
0xea: {  	v15 =	vnsel vm13, $0x0, v13;
	[tilespmem:s11+$0x40] =	vst v14  }
0xeb: {  	v13 =	vnsel vm15, $0x0, v13;
	[tilespmem:s11+$0x60] =	vst v15  }
0xec: {  	s12 =	sadd.s32 $0x1, s12;
	[tilespmem:s11+$0x20] =	vst v13  }
0xed: {  	[spmem:s3] =	stream.indirect.scatter.add.f32 [tilespmem:s28], [sflag:$0x1], $0x80, s10, s26, $0xb8;
	[tilespmem:$0x1DD00] =	vst v63  }
0xee: {  	p5 =	sne.s32 s12, $0x7D;
	_ =	swait.ge [sflag:s31], $0x2800  }
.Ltmp2:
0xef: {  	[sflag:s31] =	ssyncset.done $0x0;
	(pc) =	sbr.rel @p5 .LBB2_2-.Ltmp2, $4  }
0xf0: {  	[sflag:s31] =	ssyncadd.s32 $0xFFFFD800  }
0xf1: {  	_ =	swait.ge [sflag:s31], $0x2800  }
0xf2: {  	[sflag:s31] =	ssyncset.done $0x0  }
0xf3: {  	[sflag:s31] =	ssyncadd.s32 $0xFFFFD800  }
0xf4: {  	[bflag:$0x0] =	sbarrier.arrive $0xFFFF  }
0xf5: {  	s11 =	sshrl.u32 @p3 s17, $0x3;
	s12 =	simm.s32 @p3 $0x1FC2;
	s14 =	rddreg [dreg:$0x9]  }
0xf6: {  	[hbm:s14], [sflag:s12] =	dma.local @p3 [spmem:s11], $0x2080  }
0xf7: {  	s11 =	simm.s32 @p3 $0x2  }
0xf8: {  	_ =	swait.ge @p3 [sflag:s11], $0x2080  }
0xf9: {  	s12 =	sshll.u32 @!p3 s8, $0x6;
	[sflag:s11] =	ssyncset.done @p3 $0x0;
	s14 =	rddreg [dreg:$0x8]  }
0xfa: {  	[sflag:s11] =	ssyncadd.s32 @p3 $0xFFFFDF80;
	s11 =	sor.u32 @!p3 $0x1C02, s12;
	s12 =	sshrl.u32 @!p3 s18, $0x3  }
0xfb: {  	[hbm:s14], [sflag:s11] =	dma.local @!p3 [spmem:s12], $0x2780  }
0xfc: {  	s4 =	sadd.s32 $0x1, s4;
	s11 =	simm.s32 @!p3 $0x2  }
0xfd: {  	p5 =	sne.s32 s4, s19;
	_ =	swait.ge @!p3 [sflag:s11], $0x2780  }
0xfe: {  	s12 =	sshll.u32 @p4 s8, $0x6;
	[sflag:s11] =	ssyncset.done @!p3 $0x0;
	s14 =	rddreg [dreg:$0xa]  }
0xff: {  	[sflag:s11] =	ssyncadd.s32 @!p3 $0xFFFFD880;
	s11 =	sor.u32 @p4 $0x1C02, s12;
	s12 =	sshrl.u32 @p4 s3, $0x3  }
0x100: {  	[hbm:s14], [sflag:s11] =	dma.local @p4 [spmem:s12], $0x500  }
.Ltmp3:
0x101: {  	_ = 	snop;
	(pc) =	sbr.rel @p5 .LBB2_1-.Ltmp3, $4  }
0x102: {  	s11 =	simm.s32 @p4 $0x2  }
0x103: {  	_ =	swait.ge @p4 [sflag:s11], $0x500  }
0x104: {  	[sflag:s11] =	ssyncset.done @p4 $0x0  }
0x105: {  	[sflag:s11] =	ssyncadd.s32 @p4 $0xFFFFFB00  }
0x106: {  	_ =	sfence.sel $0x180000  }
0x107: {  	[bflag:$0x0] =	sbarrier.arrive $0xFFFF  }
0x108: {  	_ =	strace $0x90000047  }
0x109: {  	[bflag:$0x2] =	sbarrier.arrive $0xFFFF  }
0x10a: {  	p0 =	sne.s32 s8, $0x0;
	s0 =	rddreg [dreg:$0x4]  }
0x10b: {  	s0 =	sadd.s32 @!p0 $0x100000, s0  }
0x10c: {  	[sflag:s0] =	ssyncadd.tile.s32 @!p0 $0x1;
	_ =	shalt  }
.Lfunc_end2:
_tile_overlayer_lowered:
.L_overlay_start_2:
0x10d: {  	(tag) =	ssettag $0x2  }
0x10e: {  	s0 =	rddreg [dreg:$0x0];
	s2 =	stileid.u32  }
0x10f: {  	s1 =	rddreg [dreg:$0x1];
	p0 =	sne.s32 s2, $0x0  }
0x110: {  	s3 =	rddreg [dreg:$0x2];
	[bflag:$0x3] =	sbarrier.arrive $0xFFFF;
	s2 =	simm.s32 @!p0 $0x1C02  }
0x111: {  	[timem:s3], [sflag:s2] =	dma.local @!p0 [hbm:s0], s1  }
0x112: {  	s0 =	simm.s32 @!p0 $0x2  }
0x113: {  	_ =	swait.ge @!p0 [sflag:s0], s1  }
0x114: {  	s1 =	ssub.s32 @!p0 $0x0, s1;
	[sflag:s0] =	ssyncset.done @!p0 $0x0  }
0x115: {  	[sflag:s0] =	ssyncadd.s32 @!p0 s1  }
0x116: {  	[bflag:$0x3] =	sbarrier.arrive $0xFFFF  }
0x117: {  	_ =	shalt  }

</sc_bundles>
